<compile_context>
chip_gen: v7x
topology: tpu7x:2x2x1
jax: 0.10.2.dev20260603
libtpu: 0.0.44.dev20260713+nightly
codegen_flags: <defaults>
</compile_context>

<pallas_src>
import functools

import jax
import jax.numpy as jnp
from jax.experimental import pallas as pl
from jax.experimental.pallas import tpu as pltpu

H = 3
K = 87
TAU = 1.0
D = 768


def _fused_kernel(x_ref, mask_ref, k_ref, f_ref, s_ref, *, bb, n):
    rows = bb * n
    x2 = x_ref[...]
    xn2 = jnp.sum(x2 * x2, axis=1, keepdims=True)

    prec = jax.lax.Precision.DEFAULT
    invs = []
    for h in range(H):
        kh = k_ref[h]
        kn2 = jnp.sum(kh * kh, axis=1)[None, :]
        g = jax.lax.dot_general(
            x2, kh, (((1,), (1,)), ((), ())),
            precision=prec, preferred_element_type=jnp.float32)
        d2 = jnp.maximum(xn2 + kn2 - 2.0 * g, 0.0)
        m = jnp.mean(d2, axis=1, keepdims=True)
        invs.append(1.0 / ((d2 / m) / TAU))

    s_pre = jnp.maximum(jnp.maximum(invs[0], invs[1]), invs[2])
    s_pre = s_pre * mask_ref[...] * 5.0
    z = s_pre - jnp.max(s_pre, axis=1, keepdims=True)
    e = jnp.exp(z)
    s = e / jnp.sum(e, axis=1, keepdims=True)
    s_ref[...] = s

    a = []
    for h in range(H):
        a.append(jnp.concatenate(
            [jnp.max(invs[h][b * n:(b + 1) * n, :], axis=0, keepdims=True)
             for b in range(bb)], axis=0))
    pick2 = a[2] > jnp.maximum(a[0], a[1])
    pick1 = jnp.logical_and(a[1] > a[0], jnp.logical_not(pick2))
    pick0 = jnp.logical_not(jnp.logical_or(pick1, pick2))
    picks = (pick0, pick1, pick2)

    grp = jax.lax.broadcasted_iota(jnp.int32, (rows, bb), 0) // n
    lane = jax.lax.broadcasted_iota(jnp.int32, (rows, bb), 1)
    expand = (grp == lane).astype(jnp.float32)

    acc = jnp.zeros((rows, D), dtype=jnp.float32)
    for h in range(H):
        sel = jax.lax.dot_general(
            expand, picks[h].astype(jnp.float32), (((1,), (0,)), ((), ())),
            precision=prec, preferred_element_type=jnp.float32)
        acc = acc + jax.lax.dot_general(
            s * sel, k_ref[h], (((1,), (0,)), ((), ())),
            precision=prec, preferred_element_type=jnp.float32)
    f_ref[...] = acc


def kernel(x, mask, k_param, W_lin):
    B, N, _ = x.shape
    bb = 32
    rows = bb * N
    grid = (B // bb,)
    x2 = x.reshape(B * N, D)
    mask_f = mask.astype(jnp.float32).reshape(B * N, 1)

    f2, s2 = pl.pallas_call(
        functools.partial(_fused_kernel, bb=bb, n=N),
        grid=grid,
        in_specs=[
            pl.BlockSpec((rows, D), lambda i: (i, 0)),
            pl.BlockSpec((rows, 1), lambda i: (i, 0)),
            pl.BlockSpec((H, K, D), lambda i: (0, 0, 0)),
        ],
        out_specs=[
            pl.BlockSpec((rows, D), lambda i: (i, 0)),
            pl.BlockSpec((rows, K), lambda i: (i, 0)),
        ],
        out_shape=[
            jax.ShapeDtypeStruct((B * N, D), jnp.float32),
            jax.ShapeDtypeStruct((B * N, K), jnp.float32),
        ],
        compiler_params=pltpu.CompilerParams(
            dimension_semantics=("parallel",),
        ),
    )(x2, mask_f, k_param)

    k_out = jnp.transpose(k_param, (1, 0, 2)).reshape(-1, D)
    return f2.reshape(B, N, D), s2.reshape(B, N, K), k_out

# --- scband reference (transcript-rebuilt; emitter-appended) ---
"""Pipeline reference for scband-semantic-component-level-memory-74345883894098 (READ-ONLY COPY).

The authoritative reference and input builder live on the scoring server;
editing this copy changes nothing except your own understanding.
"""

import jax, jax.numpy as jnp
import numpy as np

H = 3
K = 87
TAU = 1.0
D = 768


def setup_inputs(seed: int = 0) -> dict:
    key = jax.random.key(seed)
    k1, k2, k3 = jax.random.split(key, 3)
    B, N = 1024, 43
    x = jax.random.normal(k1, (B, N, D), dtype=jnp.float32)
    mask = jnp.ones((B, N), dtype=bool)
    # self.k Parameter: uniform_(-1, 1), shape [heads, num_clusters, 768]
    k_param = jax.random.uniform(k2, (H, K, D), dtype=jnp.float32, minval=-1.0, maxval=1.0)
    # self.lin: Linear(768, 768, bias=False) weight [out, in]
    W_lin = jax.random.normal(k3, (D, D), dtype=jnp.float32) * (1.0 / np.sqrt(D))
    return {"x": x, "mask": mask, "k_param": k_param, "W_lin": W_lin}


def _forward(x, mask, k_param, W_lin):
    B, N, F = x.shape
    # dist = torch.cdist(k.view(H*K,-1), x.view(B*N,-1), p=2) ** 2  (squared euclidean)
    ks = k_param.reshape(H * K, F)
    xs = x.reshape(B * N, F)
    d2 = (jnp.sum(ks ** 2, axis=1)[:, None]
          + jnp.sum(xs ** 2, axis=1)[None, :]
          - 2.0 * (ks @ xs.T))
    dist = jnp.maximum(d2, 0.0)
    dist = dist.reshape(H, K, B, N).transpose(2, 3, 0, 1)          # [B,N,H,K]
    dist = dist / jnp.mean(dist, axis=-1, keepdims=True)
    dist = dist.transpose(0, 1, 3, 2).reshape(B * N, K, H)         # [B*N,K,H]
    dist = (dist / TAU) ** (-(TAU + 1.0) / 2.0)
    # MaxPool1d(heads) over last dim -> squeeze
    S = jnp.max(dist, axis=-1).reshape(B, N, K)
    S = S * mask.astype(S.dtype)[:, :, None] * 5.0
    S = jax.nn.softmax(S, axis=-1)
    # k = repeat_interleave(k.permute(1,0,2).unsqueeze(0), B, dim=0).view(-1, 3, 768)
    kk = jnp.transpose(k_param, (1, 0, 2))                          # [K,H,D]
    kk = jnp.broadcast_to(kk[None], (B, K, H, F)).reshape(B * K, H, F)
    # S1 head-selection path
    S1 = dist.reshape(B, N, K, H).transpose(0, 3, 2, 1)             # [B,H,K,N]
    S1 = jnp.max(S1, axis=3)                                        # topk(k=1,dim=3) values -> [B,H,K]
    S1 = S1.transpose(0, 2, 1)                                      # [B,K,H]
    idx = jnp.argmax(S1, axis=2).reshape(-1)                        # topk(k=1,dim=2) indices -> [B*K]
    # torch.gather(k, 1, idx expanded to [B*K,1,768])
    final_k = jnp.take_along_axis(kk, idx[:, None, None], axis=1)[:, 0, :].reshape(B, K, F)
    stroke_cluster = jnp.einsum('bnk,bkd->bnd', S, final_k)         # bmm
    f = stroke_cluster
    pad = jnp.zeros((B, 43 - N, F), dtype=f.dtype)
    f = jnp.concatenate([f, pad], axis=1)
    # x1 computed but unused in the original module (dead code, kept for faithfulness)
    x1 = (jnp.swapaxes(S, 1, 2) @ x) @ W_lin.T
    k_out = jnp.transpose(k_param, (1, 0, 2)).reshape(-1, F)
    return f, S, k_out


def reference(x, mask, k_param, W_lin):
    return _forward(x, mask, k_param, W_lin)

if __name__ == "__main__":
    import jax
    _d = setup_inputs()
    print(jax.jit(kernel)(*tuple(_d.values())))

</pallas_src>

<mosaic_0001>
module attributes {stable_mosaic.version = 14 : i64} {
  func.func @_fused_kernel(%arg0: i32, %arg1: memref<1376x768xf32, #tpu.memory_space<vmem>>, %arg2: memref<1376x1xf32, #tpu.memory_space<vmem>>, %arg3: memref<3x87x768xf32, #tpu.memory_space<vmem>>, %arg4: memref<1376x768xf32, #tpu.memory_space<vmem>>, %arg5: memref<1376x87xf32, #tpu.memory_space<vmem>>) attributes {dimension_semantics = [#tpu.dimension_semantics<parallel>], iteration_bounds = array<i64: 32>, scalar_prefetch = 0 : i64, scratch_operands = 0 : i64, tpu.core_type = #tpu.core_type<tc>, window_params = [{transform_indices = @transform_0, window_bounds = array<i64: 1376, 768>}, {transform_indices = @transform_1, window_bounds = array<i64: 1376, 1>}, {pipeline_mode = #tpu.pipeline_mode<synchronous>, transform_indices = @transform_2, window_bounds = array<i64: 3, 87, 768>}, {transform_indices = @transform_3, window_bounds = array<i64: 1376, 768>}, {transform_indices = @transform_4, window_bounds = array<i64: 1376, 87>}]} {
    %get3A = arith.constant 0 : index
    %get3A_0 = arith.constant 0 : index
    %get3A_1 = vector.load %arg1[%get3A, %get3A_0] : memref<1376x768xf32, #tpu.memory_space<vmem>>, vector<1376x768xf32>
    %mul3A = arith.mulf %get3A_1, %get3A_1 : vector<1376x768xf32>
    %reduce_sum3A = arith.constant dense<0.000000e+00> : vector<1376xf32>
    %reduce_sum3A_2 = vector.multi_reduction <add>, %mul3A, %reduce_sum3A [1] : vector<1376x768xf32> to vector<1376xf32>
    %broadcast_in_dim3A = vector.shape_cast %reduce_sum3A_2 : vector<1376xf32> to vector<1376x1xf32>
    %get3A_3 = arith.constant 0 : index
    %get3A_4 = arith.constant 0 : index
    %get3A_5 = arith.constant 0 : index
    %get3A_6 = vector.load %arg3[%get3A_3, %get3A_4, %get3A_5] : memref<3x87x768xf32, #tpu.memory_space<vmem>>, vector<1x87x768xf32>
    %get3A_7 = vector.shape_cast %get3A_6 : vector<1x87x768xf32> to vector<87x768xf32>
    %mul3A_8 = arith.mulf %get3A_7, %get3A_7 : vector<87x768xf32>
    %reduce_sum3A_9 = arith.constant dense<0.000000e+00> : vector<87xf32>
    %reduce_sum3A_10 = vector.multi_reduction <add>, %mul3A_8, %reduce_sum3A_9 [1] : vector<87x768xf32> to vector<87xf32>
    %broadcast_in_dim3A_11 = vector.shape_cast %reduce_sum3A_10 : vector<87xf32> to vector<1x87xf32>
    %dot_general3A = arith.constant dense<0.000000e+00> : vector<1376x87xf32>
    %dot_general3A_12 = tpu.matmul %get3A_1, %get3A_7, %dot_general3A {dimension_numbers = #tpu.dot_dimension_numbers<[1], [1], [0], [0], [0, 0, 1, 0], [], []>, transpose_lhs_hint = false} : vector<1376x768xf32>, vector<87x768xf32>, vector<1376x87xf32> -> vector<1376x87xf32>
    %add3A = vector.broadcast %broadcast_in_dim3A : vector<1376x1xf32> to vector<1376x87xf32>
    %add3A_13 = vector.broadcast %broadcast_in_dim3A_11 : vector<1x87xf32> to vector<1376x87xf32>
    %add3A_14 = arith.addf %add3A, %add3A_13 : vector<1376x87xf32>
    %mul3A_15 = arith.constant 2.000000e+00 : f32
    %mul3A_16 = vector.broadcast %mul3A_15 : f32 to vector<1376x87xf32>
    %mul3A_17 = arith.mulf %mul3A_16, %dot_general3A_12 : vector<1376x87xf32>
    %sub3A = arith.subf %add3A_14, %mul3A_17 : vector<1376x87xf32>
    %max3A = arith.constant 0.000000e+00 : f32
    %max3A_18 = vector.broadcast %max3A : f32 to vector<1376x87xf32>
    %max3A_19 = arith.maximumf %sub3A, %max3A_18 : vector<1376x87xf32>
    %reduce_sum3A_20 = arith.constant dense<0.000000e+00> : vector<1376xf32>
    %reduce_sum3A_21 = vector.multi_reduction <add>, %max3A_19, %reduce_sum3A_20 [1] : vector<1376x87xf32> to vector<1376xf32>
    %broadcast_in_dim3A_22 = vector.shape_cast %reduce_sum3A_21 : vector<1376xf32> to vector<1376x1xf32>
    %div3A = arith.constant 8.700000e+01 : f32
    %div3A_23 = vector.broadcast %div3A : f32 to vector<1376x1xf32>
    %div3A_24 = arith.divf %broadcast_in_dim3A_22, %div3A_23 : vector<1376x1xf32>
    %div3A_25 = vector.broadcast %div3A_24 : vector<1376x1xf32> to vector<1376x87xf32>
    %div3A_26 = arith.divf %max3A_19, %div3A_25 : vector<1376x87xf32>
    %div3A_27 = arith.constant 1.000000e+00 : f32
    %div3A_28 = vector.broadcast %div3A_27 : f32 to vector<1376x87xf32>
    %div3A_29 = arith.divf %div3A_26, %div3A_28 : vector<1376x87xf32>
    %div3A_30 = arith.constant 1.000000e+00 : f32
    %div3A_31 = vector.broadcast %div3A_30 : f32 to vector<1376x87xf32>
    %div3A_32 = arith.divf %div3A_31, %div3A_29 : vector<1376x87xf32>
    %get3A_33 = arith.constant 1 : index
    %get3A_34 = arith.constant 0 : index
    %get3A_35 = arith.constant 0 : index
    %get3A_36 = vector.load %arg3[%get3A_33, %get3A_34, %get3A_35] : memref<3x87x768xf32, #tpu.memory_space<vmem>>, vector<1x87x768xf32>
    %get3A_37 = vector.shape_cast %get3A_36 : vector<1x87x768xf32> to vector<87x768xf32>
    %mul3A_38 = arith.mulf %get3A_37, %get3A_37 : vector<87x768xf32>
    %reduce_sum3A_39 = arith.constant dense<0.000000e+00> : vector<87xf32>
    %reduce_sum3A_40 = vector.multi_reduction <add>, %mul3A_38, %reduce_sum3A_39 [1] : vector<87x768xf32> to vector<87xf32>
    %broadcast_in_dim3A_41 = vector.shape_cast %reduce_sum3A_40 : vector<87xf32> to vector<1x87xf32>
    %dot_general3A_42 = arith.constant dense<0.000000e+00> : vector<1376x87xf32>
    %dot_general3A_43 = tpu.matmul %get3A_1, %get3A_37, %dot_general3A_42 {dimension_numbers = #tpu.dot_dimension_numbers<[1], [1], [0], [0], [0, 0, 1, 0], [], []>, transpose_lhs_hint = false} : vector<1376x768xf32>, vector<87x768xf32>, vector<1376x87xf32> -> vector<1376x87xf32>
    %add3A_44 = vector.broadcast %broadcast_in_dim3A : vector<1376x1xf32> to vector<1376x87xf32>
    %add3A_45 = vector.broadcast %broadcast_in_dim3A_41 : vector<1x87xf32> to vector<1376x87xf32>
    %add3A_46 = arith.addf %add3A_44, %add3A_45 : vector<1376x87xf32>
    %mul3A_47 = arith.constant 2.000000e+00 : f32
    %mul3A_48 = vector.broadcast %mul3A_47 : f32 to vector<1376x87xf32>
    %mul3A_49 = arith.mulf %mul3A_48, %dot_general3A_43 : vector<1376x87xf32>
    %sub3A_50 = arith.subf %add3A_46, %mul3A_49 : vector<1376x87xf32>
    %max3A_51 = arith.constant 0.000000e+00 : f32
    %max3A_52 = vector.broadcast %max3A_51 : f32 to vector<1376x87xf32>
    %max3A_53 = arith.maximumf %sub3A_50, %max3A_52 : vector<1376x87xf32>
    %reduce_sum3A_54 = arith.constant dense<0.000000e+00> : vector<1376xf32>
    %reduce_sum3A_55 = vector.multi_reduction <add>, %max3A_53, %reduce_sum3A_54 [1] : vector<1376x87xf32> to vector<1376xf32>
    %broadcast_in_dim3A_56 = vector.shape_cast %reduce_sum3A_55 : vector<1376xf32> to vector<1376x1xf32>
    %div3A_57 = arith.constant 8.700000e+01 : f32
    %div3A_58 = vector.broadcast %div3A_57 : f32 to vector<1376x1xf32>
    %div3A_59 = arith.divf %broadcast_in_dim3A_56, %div3A_58 : vector<1376x1xf32>
    %div3A_60 = vector.broadcast %div3A_59 : vector<1376x1xf32> to vector<1376x87xf32>
    %div3A_61 = arith.divf %max3A_53, %div3A_60 : vector<1376x87xf32>
    %div3A_62 = arith.constant 1.000000e+00 : f32
    %div3A_63 = vector.broadcast %div3A_62 : f32 to vector<1376x87xf32>
    %div3A_64 = arith.divf %div3A_61, %div3A_63 : vector<1376x87xf32>
    %div3A_65 = arith.constant 1.000000e+00 : f32
    %div3A_66 = vector.broadcast %div3A_65 : f32 to vector<1376x87xf32>
    %div3A_67 = arith.divf %div3A_66, %div3A_64 : vector<1376x87xf32>
    %get3A_68 = arith.constant 2 : index
    %get3A_69 = arith.constant 0 : index
    %get3A_70 = arith.constant 0 : index
    %get3A_71 = vector.load %arg3[%get3A_68, %get3A_69, %get3A_70] : memref<3x87x768xf32, #tpu.memory_space<vmem>>, vector<1x87x768xf32>
    %get3A_72 = vector.shape_cast %get3A_71 : vector<1x87x768xf32> to vector<87x768xf32>
    %mul3A_73 = arith.mulf %get3A_72, %get3A_72 : vector<87x768xf32>
    %reduce_sum3A_74 = arith.constant dense<0.000000e+00> : vector<87xf32>
    %reduce_sum3A_75 = vector.multi_reduction <add>, %mul3A_73, %reduce_sum3A_74 [1] : vector<87x768xf32> to vector<87xf32>
    %broadcast_in_dim3A_76 = vector.shape_cast %reduce_sum3A_75 : vector<87xf32> to vector<1x87xf32>
    %dot_general3A_77 = arith.constant dense<0.000000e+00> : vector<1376x87xf32>
    %dot_general3A_78 = tpu.matmul %get3A_1, %get3A_72, %dot_general3A_77 {dimension_numbers = #tpu.dot_dimension_numbers<[1], [1], [0], [0], [0, 0, 1, 0], [], []>, transpose_lhs_hint = false} : vector<1376x768xf32>, vector<87x768xf32>, vector<1376x87xf32> -> vector<1376x87xf32>
    %add3A_79 = vector.broadcast %broadcast_in_dim3A : vector<1376x1xf32> to vector<1376x87xf32>
    %add3A_80 = vector.broadcast %broadcast_in_dim3A_76 : vector<1x87xf32> to vector<1376x87xf32>
    %add3A_81 = arith.addf %add3A_79, %add3A_80 : vector<1376x87xf32>
    %mul3A_82 = arith.constant 2.000000e+00 : f32
    %mul3A_83 = vector.broadcast %mul3A_82 : f32 to vector<1376x87xf32>
    %mul3A_84 = arith.mulf %mul3A_83, %dot_general3A_78 : vector<1376x87xf32>
    %sub3A_85 = arith.subf %add3A_81, %mul3A_84 : vector<1376x87xf32>
    %max3A_86 = arith.constant 0.000000e+00 : f32
    %max3A_87 = vector.broadcast %max3A_86 : f32 to vector<1376x87xf32>
    %max3A_88 = arith.maximumf %sub3A_85, %max3A_87 : vector<1376x87xf32>
    %reduce_sum3A_89 = arith.constant dense<0.000000e+00> : vector<1376xf32>
    %reduce_sum3A_90 = vector.multi_reduction <add>, %max3A_88, %reduce_sum3A_89 [1] : vector<1376x87xf32> to vector<1376xf32>
    %broadcast_in_dim3A_91 = vector.shape_cast %reduce_sum3A_90 : vector<1376xf32> to vector<1376x1xf32>
    %div3A_92 = arith.constant 8.700000e+01 : f32
    %div3A_93 = vector.broadcast %div3A_92 : f32 to vector<1376x1xf32>
    %div3A_94 = arith.divf %broadcast_in_dim3A_91, %div3A_93 : vector<1376x1xf32>
    %div3A_95 = vector.broadcast %div3A_94 : vector<1376x1xf32> to vector<1376x87xf32>
    %div3A_96 = arith.divf %max3A_88, %div3A_95 : vector<1376x87xf32>
    %div3A_97 = arith.constant 1.000000e+00 : f32
    %div3A_98 = vector.broadcast %div3A_97 : f32 to vector<1376x87xf32>
    %div3A_99 = arith.divf %div3A_96, %div3A_98 : vector<1376x87xf32>
    %div3A_100 = arith.constant 1.000000e+00 : f32
    %div3A_101 = vector.broadcast %div3A_100 : f32 to vector<1376x87xf32>
    %div3A_102 = arith.divf %div3A_101, %div3A_99 : vector<1376x87xf32>
    %max3A_103 = arith.maximumf %div3A_32, %div3A_67 : vector<1376x87xf32>
    %max3A_104 = arith.maximumf %max3A_103, %div3A_102 : vector<1376x87xf32>
    %get3A_105 = arith.constant 0 : index
    %get3A_106 = arith.constant 0 : index
    %get3A_107 = vector.load %arg2[%get3A_105, %get3A_106] : memref<1376x1xf32, #tpu.memory_space<vmem>>, vector<1376x1xf32>
    %mul3A_108 = vector.broadcast %get3A_107 : vector<1376x1xf32> to vector<1376x87xf32>
    %mul3A_109 = arith.mulf %max3A_104, %mul3A_108 : vector<1376x87xf32>
    %mul3A_110 = arith.constant 5.000000e+00 : f32
    %mul3A_111 = vector.broadcast %mul3A_110 : f32 to vector<1376x87xf32>
    %mul3A_112 = arith.mulf %mul3A_109, %mul3A_111 : vector<1376x87xf32>
    %reduce_max3A = arith.constant dense<0xFF800000> : vector<1376xf32>
    %reduce_max3A_113 = vector.multi_reduction <maximumf>, %mul3A_112, %reduce_max3A [1] : vector<1376x87xf32> to vector<1376xf32>
    %broadcast_in_dim3A_114 = vector.shape_cast %reduce_max3A_113 : vector<1376xf32> to vector<1376x1xf32>
    %sub3A_115 = vector.broadcast %broadcast_in_dim3A_114 : vector<1376x1xf32> to vector<1376x87xf32>
    %sub3A_116 = arith.subf %mul3A_112, %sub3A_115 : vector<1376x87xf32>
    %exp3A = math.exp %sub3A_116 : vector<1376x87xf32>
    %reduce_sum3A_117 = arith.constant dense<0.000000e+00> : vector<1376xf32>
    %reduce_sum3A_118 = vector.multi_reduction <add>, %exp3A, %reduce_sum3A_117 [1] : vector<1376x87xf32> to vector<1376xf32>
    %broadcast_in_dim3A_119 = vector.shape_cast %reduce_sum3A_118 : vector<1376xf32> to vector<1376x1xf32>
    %div3A_120 = vector.broadcast %broadcast_in_dim3A_119 : vector<1376x1xf32> to vector<1376x87xf32>
    %div3A_121 = arith.divf %exp3A, %div3A_120 : vector<1376x87xf32>
    %swap3A = arith.constant 0 : index
    %swap3A_122 = arith.constant 0 : index
    %swap3A_123 = vector.load %arg5[%swap3A, %swap3A_122] : memref<1376x87xf32, #tpu.memory_space<vmem>>, vector<1376x87xf32>
    tpu.vector_store %arg5[%swap3A, %swap3A_122], %div3A_121 {strides = array<i32>} : memref<1376x87xf32, #tpu.memory_space<vmem>>, vector<1376x87xf32>,
    %slice3A = vector.extract_strided_slice %div3A_32 {offsets = [0, 0], sizes = [43, 87], strides = [1, 1]} : vector<1376x87xf32> to vector<43x87xf32>
    %reduce_max3A_124 = arith.constant dense<0xFF800000> : vector<87xf32>
    %reduce_max3A_125 = vector.multi_reduction <maximumf>, %slice3A, %reduce_max3A_124 [0] : vector<43x87xf32> to vector<87xf32>
    %broadcast_in_dim3A_126 = vector.shape_cast %reduce_max3A_125 : vector<87xf32> to vector<1x87xf32>
    %slice3A_127 = vector.extract_strided_slice %div3A_32 {offsets = [43, 0], sizes = [43, 87], strides = [1, 1]} : vector<1376x87xf32> to vector<43x87xf32>
    %reduce_max3A_128 = arith.constant dense<0xFF800000> : vector<87xf32>
    %reduce_max3A_129 = vector.multi_reduction <maximumf>, %slice3A_127, %reduce_max3A_128 [0] : vector<43x87xf32> to vector<87xf32>
    %broadcast_in_dim3A_130 = vector.shape_cast %reduce_max3A_129 : vector<87xf32> to vector<1x87xf32>
    %slice3A_131 = vector.extract_strided_slice %div3A_32 {offsets = [86, 0], sizes = [43, 87], strides = [1, 1]} : vector<1376x87xf32> to vector<43x87xf32>
    %reduce_max3A_132 = arith.constant dense<0xFF800000> : vector<87xf32>
    %reduce_max3A_133 = vector.multi_reduction <maximumf>, %slice3A_131, %reduce_max3A_132 [0] : vector<43x87xf32> to vector<87xf32>
    %broadcast_in_dim3A_134 = vector.shape_cast %reduce_max3A_133 : vector<87xf32> to vector<1x87xf32>
    %slice3A_135 = vector.extract_strided_slice %div3A_32 {offsets = [129, 0], sizes = [43, 87], strides = [1, 1]} : vector<1376x87xf32> to vector<43x87xf32>
    %reduce_max3A_136 = arith.constant dense<0xFF800000> : vector<87xf32>
    %reduce_max3A_137 = vector.multi_reduction <maximumf>, %slice3A_135, %reduce_max3A_136 [0] : vector<43x87xf32> to vector<87xf32>
    %broadcast_in_dim3A_138 = vector.shape_cast %reduce_max3A_137 : vector<87xf32> to vector<1x87xf32>
    %slice3A_139 = vector.extract_strided_slice %div3A_32 {offsets = [172, 0], sizes = [43, 87], strides = [1, 1]} : vector<1376x87xf32> to vector<43x87xf32>
    %reduce_max3A_140 = arith.constant dense<0xFF800000> : vector<87xf32>
    %reduce_max3A_141 = vector.multi_reduction <maximumf>, %slice3A_139, %reduce_max3A_140 [0] : vector<43x87xf32> to vector<87xf32>
    %broadcast_in_dim3A_142 = vector.shape_cast %reduce_max3A_141 : vector<87xf32> to vector<1x87xf32>
    %slice3A_143 = vector.extract_strided_slice %div3A_32 {offsets = [215, 0], sizes = [43, 87], strides = [1, 1]} : vector<1376x87xf32> to vector<43x87xf32>
    %reduce_max3A_144 = arith.constant dense<0xFF800000> : vector<87xf32>
    %reduce_max3A_145 = vector.multi_reduction <maximumf>, %slice3A_143, %reduce_max3A_144 [0] : vector<43x87xf32> to vector<87xf32>
    %broadcast_in_dim3A_146 = vector.shape_cast %reduce_max3A_145 : vector<87xf32> to vector<1x87xf32>
    %slice3A_147 = vector.extract_strided_slice %div3A_32 {offsets = [258, 0], sizes = [43, 87], strides = [1, 1]} : vector<1376x87xf32> to vector<43x87xf32>
    %reduce_max3A_148 = arith.constant dense<0xFF800000> : vector<87xf32>
    %reduce_max3A_149 = vector.multi_reduction <maximumf>, %slice3A_147, %reduce_max3A_148 [0] : vector<43x87xf32> to vector<87xf32>
    %broadcast_in_dim3A_150 = vector.shape_cast %reduce_max3A_149 : vector<87xf32> to vector<1x87xf32>
    %slice3A_151 = vector.extract_strided_slice %div3A_32 {offsets = [301, 0], sizes = [43, 87], strides = [1, 1]} : vector<1376x87xf32> to vector<43x87xf32>
    %reduce_max3A_152 = arith.constant dense<0xFF800000> : vector<87xf32>
    %reduce_max3A_153 = vector.multi_reduction <maximumf>, %slice3A_151, %reduce_max3A_152 [0] : vector<43x87xf32> to vector<87xf32>
    %broadcast_in_dim3A_154 = vector.shape_cast %reduce_max3A_153 : vector<87xf32> to vector<1x87xf32>
    %slice3A_155 = vector.extract_strided_slice %div3A_32 {offsets = [344, 0], sizes = [43, 87], strides = [1, 1]} : vector<1376x87xf32> to vector<43x87xf32>
    %reduce_max3A_156 = arith.constant dense<0xFF800000> : vector<87xf32>
    %reduce_max3A_157 = vector.multi_reduction <maximumf>, %slice3A_155, %reduce_max3A_156 [0] : vector<43x87xf32> to vector<87xf32>
    %broadcast_in_dim3A_158 = vector.shape_cast %reduce_max3A_157 : vector<87xf32> to vector<1x87xf32>
    %slice3A_159 = vector.extract_strided_slice %div3A_32 {offsets = [387, 0], sizes = [43, 87], strides = [1, 1]} : vector<1376x87xf32> to vector<43x87xf32>
    %reduce_max3A_160 = arith.constant dense<0xFF800000> : vector<87xf32>
    %reduce_max3A_161 = vector.multi_reduction <maximumf>, %slice3A_159, %reduce_max3A_160 [0] : vector<43x87xf32> to vector<87xf32>
    %broadcast_in_dim3A_162 = vector.shape_cast %reduce_max3A_161 : vector<87xf32> to vector<1x87xf32>
    %slice3A_163 = vector.extract_strided_slice %div3A_32 {offsets = [430, 0], sizes = [43, 87], strides = [1, 1]} : vector<1376x87xf32> to vector<43x87xf32>
    %reduce_max3A_164 = arith.constant dense<0xFF800000> : vector<87xf32>
    %reduce_max3A_165 = vector.multi_reduction <maximumf>, %slice3A_163, %reduce_max3A_164 [0] : vector<43x87xf32> to vector<87xf32>
    %broadcast_in_dim3A_166 = vector.shape_cast %reduce_max3A_165 : vector<87xf32> to vector<1x87xf32>
    %slice3A_167 = vector.extract_strided_slice %div3A_32 {offsets = [473, 0], sizes = [43, 87], strides = [1, 1]} : vector<1376x87xf32> to vector<43x87xf32>
    %reduce_max3A_168 = arith.constant dense<0xFF800000> : vector<87xf32>
    %reduce_max3A_169 = vector.multi_reduction <maximumf>, %slice3A_167, %reduce_max3A_168 [0] : vector<43x87xf32> to vector<87xf32>
    %broadcast_in_dim3A_170 = vector.shape_cast %reduce_max3A_169 : vector<87xf32> to vector<1x87xf32>
    %slice3A_171 = vector.extract_strided_slice %div3A_32 {offsets = [516, 0], sizes = [43, 87], strides = [1, 1]} : vector<1376x87xf32> to vector<43x87xf32>
    %reduce_max3A_172 = arith.constant dense<0xFF800000> : vector<87xf32>
    %reduce_max3A_173 = vector.multi_reduction <maximumf>, %slice3A_171, %reduce_max3A_172 [0] : vector<43x87xf32> to vector<87xf32>
    %broadcast_in_dim3A_174 = vector.shape_cast %reduce_max3A_173 : vector<87xf32> to vector<1x87xf32>
    %slice3A_175 = vector.extract_strided_slice %div3A_32 {offsets = [559, 0], sizes = [43, 87], strides = [1, 1]} : vector<1376x87xf32> to vector<43x87xf32>
    %reduce_max3A_176 = arith.constant dense<0xFF800000> : vector<87xf32>
    %reduce_max3A_177 = vector.multi_reduction <maximumf>, %slice3A_175, %reduce_max3A_176 [0] : vector<43x87xf32> to vector<87xf32>
    %broadcast_in_dim3A_178 = vector.shape_cast %reduce_max3A_177 : vector<87xf32> to vector<1x87xf32>
    %slice3A_179 = vector.extract_strided_slice %div3A_32 {offsets = [602, 0], sizes = [43, 87], strides = [1, 1]} : vector<1376x87xf32> to vector<43x87xf32>
    %reduce_max3A_180 = arith.constant dense<0xFF800000> : vector<87xf32>
    %reduce_max3A_181 = vector.multi_reduction <maximumf>, %slice3A_179, %reduce_max3A_180 [0] : vector<43x87xf32> to vector<87xf32>
    %broadcast_in_dim3A_182 = vector.shape_cast %reduce_max3A_181 : vector<87xf32> to vector<1x87xf32>
    %slice3A_183 = vector.extract_strided_slice %div3A_32 {offsets = [645, 0], sizes = [43, 87], strides = [1, 1]} : vector<1376x87xf32> to vector<43x87xf32>
    %reduce_max3A_184 = arith.constant dense<0xFF800000> : vector<87xf32>
    %reduce_max3A_185 = vector.multi_reduction <maximumf>, %slice3A_183, %reduce_max3A_184 [0] : vector<43x87xf32> to vector<87xf32>
    %broadcast_in_dim3A_186 = vector.shape_cast %reduce_max3A_185 : vector<87xf32> to vector<1x87xf32>
    %slice3A_187 = vector.extract_strided_slice %div3A_32 {offsets = [688, 0], sizes = [43, 87], strides = [1, 1]} : vector<1376x87xf32> to vector<43x87xf32>
    %reduce_max3A_188 = arith.constant dense<0xFF800000> : vector<87xf32>
    %reduce_max3A_189 = vector.multi_reduction <maximumf>, %slice3A_187, %reduce_max3A_188 [0] : vector<43x87xf32> to vector<87xf32>
    %broadcast_in_dim3A_190 = vector.shape_cast %reduce_max3A_189 : vector<87xf32> to vector<1x87xf32>
    %slice3A_191 = vector.extract_strided_slice %div3A_32 {offsets = [731, 0], sizes = [43, 87], strides = [1, 1]} : vector<1376x87xf32> to vector<43x87xf32>
    %reduce_max3A_192 = arith.constant dense<0xFF800000> : vector<87xf32>
    %reduce_max3A_193 = vector.multi_reduction <maximumf>, %slice3A_191, %reduce_max3A_192 [0] : vector<43x87xf32> to vector<87xf32>
    %broadcast_in_dim3A_194 = vector.shape_cast %reduce_max3A_193 : vector<87xf32> to vector<1x87xf32>
    %slice3A_195 = vector.extract_strided_slice %div3A_32 {offsets = [774, 0], sizes = [43, 87], strides = [1, 1]} : vector<1376x87xf32> to vector<43x87xf32>
    %reduce_max3A_196 = arith.constant dense<0xFF800000> : vector<87xf32>
    %reduce_max3A_197 = vector.multi_reduction <maximumf>, %slice3A_195, %reduce_max3A_196 [0] : vector<43x87xf32> to vector<87xf32>
    %broadcast_in_dim3A_198 = vector.shape_cast %reduce_max3A_197 : vector<87xf32> to vector<1x87xf32>
    %slice3A_199 = vector.extract_strided_slice %div3A_32 {offsets = [817, 0], sizes = [43, 87], strides = [1, 1]} : vector<1376x87xf32> to vector<43x87xf32>
    %reduce_max3A_200 = arith.constant dense<0xFF800000> : vector<87xf32>
    %reduce_max3A_201 = vector.multi_reduction <maximumf>, %slice3A_199, %reduce_max3A_200 [0] : vector<43x87xf32> to vector<87xf32>
    %broadcast_in_dim3A_202 = vector.shape_cast %reduce_max3A_201 : vector<87xf32> to vector<1x87xf32>
    %slice3A_203 = vector.extract_strided_slice %div3A_32 {offsets = [860, 0], sizes = [43, 87], strides = [1, 1]} : vector<1376x87xf32> to vector<43x87xf32>
    %reduce_max3A_204 = arith.constant dense<0xFF800000> : vector<87xf32>
    %reduce_max3A_205 = vector.multi_reduction <maximumf>, %slice3A_203, %reduce_max3A_204 [0] : vector<43x87xf32> to vector<87xf32>
    %broadcast_in_dim3A_206 = vector.shape_cast %reduce_max3A_205 : vector<87xf32> to vector<1x87xf32>
    %slice3A_207 = vector.extract_strided_slice %div3A_32 {offsets = [903, 0], sizes = [43, 87], strides = [1, 1]} : vector<1376x87xf32> to vector<43x87xf32>
    %reduce_max3A_208 = arith.constant dense<0xFF800000> : vector<87xf32>
    %reduce_max3A_209 = vector.multi_reduction <maximumf>, %slice3A_207, %reduce_max3A_208 [0] : vector<43x87xf32> to vector<87xf32>
    %broadcast_in_dim3A_210 = vector.shape_cast %reduce_max3A_209 : vector<87xf32> to vector<1x87xf32>
    %slice3A_211 = vector.extract_strided_slice %div3A_32 {offsets = [946, 0], sizes = [43, 87], strides = [1, 1]} : vector<1376x87xf32> to vector<43x87xf32>
    %reduce_max3A_212 = arith.constant dense<0xFF800000> : vector<87xf32>
    %reduce_max3A_213 = vector.multi_reduction <maximumf>, %slice3A_211, %reduce_max3A_212 [0] : vector<43x87xf32> to vector<87xf32>
    %broadcast_in_dim3A_214 = vector.shape_cast %reduce_max3A_213 : vector<87xf32> to vector<1x87xf32>
    %slice3A_215 = vector.extract_strided_slice %div3A_32 {offsets = [989, 0], sizes = [43, 87], strides = [1, 1]} : vector<1376x87xf32> to vector<43x87xf32>
    %reduce_max3A_216 = arith.constant dense<0xFF800000> : vector<87xf32>
    %reduce_max3A_217 = vector.multi_reduction <maximumf>, %slice3A_215, %reduce_max3A_216 [0] : vector<43x87xf32> to vector<87xf32>
    %broadcast_in_dim3A_218 = vector.shape_cast %reduce_max3A_217 : vector<87xf32> to vector<1x87xf32>
    %slice3A_219 = vector.extract_strided_slice %div3A_32 {offsets = [1032, 0], sizes = [43, 87], strides = [1, 1]} : vector<1376x87xf32> to vector<43x87xf32>
    %reduce_max3A_220 = arith.constant dense<0xFF800000> : vector<87xf32>
    %reduce_max3A_221 = vector.multi_reduction <maximumf>, %slice3A_219, %reduce_max3A_220 [0] : vector<43x87xf32> to vector<87xf32>
    %broadcast_in_dim3A_222 = vector.shape_cast %reduce_max3A_221 : vector<87xf32> to vector<1x87xf32>
    %slice3A_223 = vector.extract_strided_slice %div3A_32 {offsets = [1075, 0], sizes = [43, 87], strides = [1, 1]} : vector<1376x87xf32> to vector<43x87xf32>
    %reduce_max3A_224 = arith.constant dense<0xFF800000> : vector<87xf32>
    %reduce_max3A_225 = vector.multi_reduction <maximumf>, %slice3A_223, %reduce_max3A_224 [0] : vector<43x87xf32> to vector<87xf32>
    %broadcast_in_dim3A_226 = vector.shape_cast %reduce_max3A_225 : vector<87xf32> to vector<1x87xf32>
    %slice3A_227 = vector.extract_strided_slice %div3A_32 {offsets = [1118, 0], sizes = [43, 87], strides = [1, 1]} : vector<1376x87xf32> to vector<43x87xf32>
    %reduce_max3A_228 = arith.constant dense<0xFF800000> : vector<87xf32>
    %reduce_max3A_229 = vector.multi_reduction <maximumf>, %slice3A_227, %reduce_max3A_228 [0] : vector<43x87xf32> to vector<87xf32>
    %broadcast_in_dim3A_230 = vector.shape_cast %reduce_max3A_229 : vector<87xf32> to vector<1x87xf32>
    %slice3A_231 = vector.extract_strided_slice %div3A_32 {offsets = [1161, 0], sizes = [43, 87], strides = [1, 1]} : vector<1376x87xf32> to vector<43x87xf32>
    %reduce_max3A_232 = arith.constant dense<0xFF800000> : vector<87xf32>
    %reduce_max3A_233 = vector.multi_reduction <maximumf>, %slice3A_231, %reduce_max3A_232 [0] : vector<43x87xf32> to vector<87xf32>
    %broadcast_in_dim3A_234 = vector.shape_cast %reduce_max3A_233 : vector<87xf32> to vector<1x87xf32>
    %slice3A_235 = vector.extract_strided_slice %div3A_32 {offsets = [1204, 0], sizes = [43, 87], strides = [1, 1]} : vector<1376x87xf32> to vector<43x87xf32>
    %reduce_max3A_236 = arith.constant dense<0xFF800000> : vector<87xf32>
    %reduce_max3A_237 = vector.multi_reduction <maximumf>, %slice3A_235, %reduce_max3A_236 [0] : vector<43x87xf32> to vector<87xf32>
    %broadcast_in_dim3A_238 = vector.shape_cast %reduce_max3A_237 : vector<87xf32> to vector<1x87xf32>
    %slice3A_239 = vector.extract_strided_slice %div3A_32 {offsets = [1247, 0], sizes = [43, 87], strides = [1, 1]} : vector<1376x87xf32> to vector<43x87xf32>
    %reduce_max3A_240 = arith.constant dense<0xFF800000> : vector<87xf32>
    %reduce_max3A_241 = vector.multi_reduction <maximumf>, %slice3A_239, %reduce_max3A_240 [0] : vector<43x87xf32> to vector<87xf32>
    %broadcast_in_dim3A_242 = vector.shape_cast %reduce_max3A_241 : vector<87xf32> to vector<1x87xf32>
    %slice3A_243 = vector.extract_strided_slice %div3A_32 {offsets = [1290, 0], sizes = [43, 87], strides = [1, 1]} : vector<1376x87xf32> to vector<43x87xf32>
    %reduce_max3A_244 = arith.constant dense<0xFF800000> : vector<87xf32>
    %reduce_max3A_245 = vector.multi_reduction <maximumf>, %slice3A_243, %reduce_max3A_244 [0] : vector<43x87xf32> to vector<87xf32>
    %broadcast_in_dim3A_246 = vector.shape_cast %reduce_max3A_245 : vector<87xf32> to vector<1x87xf32>
    %slice3A_247 = vector.extract_strided_slice %div3A_32 {offsets = [1333, 0], sizes = [43, 87], strides = [1, 1]} : vector<1376x87xf32> to vector<43x87xf32>
    %reduce_max3A_248 = arith.constant dense<0xFF800000> : vector<87xf32>
    %reduce_max3A_249 = vector.multi_reduction <maximumf>, %slice3A_247, %reduce_max3A_248 [0] : vector<43x87xf32> to vector<87xf32>
    %broadcast_in_dim3A_250 = vector.shape_cast %reduce_max3A_249 : vector<87xf32> to vector<1x87xf32>
    %concatenate3A = tpu.concatenate %broadcast_in_dim3A_126, %broadcast_in_dim3A_130, %broadcast_in_dim3A_134, %broadcast_in_dim3A_138, %broadcast_in_dim3A_142, %broadcast_in_dim3A_146, %broadcast_in_dim3A_150, %broadcast_in_dim3A_154, %broadcast_in_dim3A_158, %broadcast_in_dim3A_162, %broadcast_in_dim3A_166, %broadcast_in_dim3A_170, %broadcast_in_dim3A_174, %broadcast_in_dim3A_178, %broadcast_in_dim3A_182, %broadcast_in_dim3A_186, %broadcast_in_dim3A_190, %broadcast_in_dim3A_194, %broadcast_in_dim3A_198, %broadcast_in_dim3A_202, %broadcast_in_dim3A_206, %broadcast_in_dim3A_210, %broadcast_in_dim3A_214, %broadcast_in_dim3A_218, %broadcast_in_dim3A_222, %broadcast_in_dim3A_226, %broadcast_in_dim3A_230, %broadcast_in_dim3A_234, %broadcast_in_dim3A_238, %broadcast_in_dim3A_242, %broadcast_in_dim3A_246, %broadcast_in_dim3A_250 in 0 : vector<1x87xf32>, vector<1x87xf32>, vector<1x87xf32>, vector<1x87xf32>, vector<1x87xf32>, vector<1x87xf32>, vector<1x87xf32>, vector<1x87xf32>, vector<1x87xf32>, vector<1x87xf32>, vector<1x87xf32>, vector<1x87xf32>, vector<1x87xf32>, vector<1x87xf32>, vector<1x87xf32>, vector<1x87xf32>, vector<1x87xf32>, vector<1x87xf32>, vector<1x87xf32>, vector<1x87xf32>, vector<1x87xf32>, vector<1x87xf32>, vector<1x87xf32>, vector<1x87xf32>, vector<1x87xf32>, vector<1x87xf32>, vector<1x87xf32>, vector<1x87xf32>, vector<1x87xf32>, vector<1x87xf32>, vector<1x87xf32>, vector<1x87xf32> -> vector<32x87xf32>
    %slice3A_251 = vector.extract_strided_slice %div3A_67 {offsets = [0, 0], sizes = [43, 87], strides = [1, 1]} : vector<1376x87xf32> to vector<43x87xf32>
    %reduce_max3A_252 = arith.constant dense<0xFF800000> : vector<87xf32>
    %reduce_max3A_253 = vector.multi_reduction <maximumf>, %slice3A_251, %reduce_max3A_252 [0] : vector<43x87xf32> to vector<87xf32>
    %broadcast_in_dim3A_254 = vector.shape_cast %reduce_max3A_253 : vector<87xf32> to vector<1x87xf32>
    %slice3A_255 = vector.extract_strided_slice %div3A_67 {offsets = [43, 0], sizes = [43, 87], strides = [1, 1]} : vector<1376x87xf32> to vector<43x87xf32>
    %reduce_max3A_256 = arith.constant dense<0xFF800000> : vector<87xf32>
    %reduce_max3A_257 = vector.multi_reduction <maximumf>, %slice3A_255, %reduce_max3A_256 [0] : vector<43x87xf32> to vector<87xf32>
    %broadcast_in_dim3A_258 = vector.shape_cast %reduce_max3A_257 : vector<87xf32> to vector<1x87xf32>
    %slice3A_259 = vector.extract_strided_slice %div3A_67 {offsets = [86, 0], sizes = [43, 87], strides = [1, 1]} : vector<1376x87xf32> to vector<43x87xf32>
    %reduce_max3A_260 = arith.constant dense<0xFF800000> : vector<87xf32>
    %reduce_max3A_261 = vector.multi_reduction <maximumf>, %slice3A_259, %reduce_max3A_260 [0] : vector<43x87xf32> to vector<87xf32>
    %broadcast_in_dim3A_262 = vector.shape_cast %reduce_max3A_261 : vector<87xf32> to vector<1x87xf32>
    %slice3A_263 = vector.extract_strided_slice %div3A_67 {offsets = [129, 0], sizes = [43, 87], strides = [1, 1]} : vector<1376x87xf32> to vector<43x87xf32>
    %reduce_max3A_264 = arith.constant dense<0xFF800000> : vector<87xf32>
    %reduce_max3A_265 = vector.multi_reduction <maximumf>, %slice3A_263, %reduce_max3A_264 [0] : vector<43x87xf32> to vector<87xf32>
    %broadcast_in_dim3A_266 = vector.shape_cast %reduce_max3A_265 : vector<87xf32> to vector<1x87xf32>
    %slice3A_267 = vector.extract_strided_slice %div3A_67 {offsets = [172, 0], sizes = [43, 87], strides = [1, 1]} : vector<1376x87xf32> to vector<43x87xf32>
    %reduce_max3A_268 = arith.constant dense<0xFF800000> : vector<87xf32>
    %reduce_max3A_269 = vector.multi_reduction <maximumf>, %slice3A_267, %reduce_max3A_268 [0] : vector<43x87xf32> to vector<87xf32>
    %broadcast_in_dim3A_270 = vector.shape_cast %reduce_max3A_269 : vector<87xf32> to vector<1x87xf32>
    %slice3A_271 = vector.extract_strided_slice %div3A_67 {offsets = [215, 0], sizes = [43, 87], strides = [1, 1]} : vector<1376x87xf32> to vector<43x87xf32>
    %reduce_max3A_272 = arith.constant dense<0xFF800000> : vector<87xf32>
    %reduce_max3A_273 = vector.multi_reduction <maximumf>, %slice3A_271, %reduce_max3A_272 [0] : vector<43x87xf32> to vector<87xf32>
    %broadcast_in_dim3A_274 = vector.shape_cast %reduce_max3A_273 : vector<87xf32> to vector<1x87xf32>
    %slice3A_275 = vector.extract_strided_slice %div3A_67 {offsets = [258, 0], sizes = [43, 87], strides = [1, 1]} : vector<1376x87xf32> to vector<43x87xf32>
    %reduce_max3A_276 = arith.constant dense<0xFF800000> : vector<87xf32>
    %reduce_max3A_277 = vector.multi_reduction <maximumf>, %slice3A_275, %reduce_max3A_276 [0] : vector<43x87xf32> to vector<87xf32>
    %broadcast_in_dim3A_278 = vector.shape_cast %reduce_max3A_277 : vector<87xf32> to vector<1x87xf32>
    %slice3A_279 = vector.extract_strided_slice %div3A_67 {offsets = [301, 0], sizes = [43, 87], strides = [1, 1]} : vector<1376x87xf32> to vector<43x87xf32>
    %reduce_max3A_280 = arith.constant dense<0xFF800000> : vector<87xf32>
    %reduce_max3A_281 = vector.multi_reduction <maximumf>, %slice3A_279, %reduce_max3A_280 [0] : vector<43x87xf32> to vector<87xf32>
    %broadcast_in_dim3A_282 = vector.shape_cast %reduce_max3A_281 : vector<87xf32> to vector<1x87xf32>
    %slice3A_283 = vector.extract_strided_slice %div3A_67 {offsets = [344, 0], sizes = [43, 87], strides = [1, 1]} : vector<1376x87xf32> to vector<43x87xf32>
    %reduce_max3A_284 = arith.constant dense<0xFF800000> : vector<87xf32>
    %reduce_max3A_285 = vector.multi_reduction <maximumf>, %slice3A_283, %reduce_max3A_284 [0] : vector<43x87xf32> to vector<87xf32>
    %broadcast_in_dim3A_286 = vector.shape_cast %reduce_max3A_285 : vector<87xf32> to vector<1x87xf32>
    %slice3A_287 = vector.extract_strided_slice %div3A_67 {offsets = [387, 0], sizes = [43, 87], strides = [1, 1]} : vector<1376x87xf32> to vector<43x87xf32>
    %reduce_max3A_288 = arith.constant dense<0xFF800000> : vector<87xf32>
    %reduce_max3A_289 = vector.multi_reduction <maximumf>, %slice3A_287, %reduce_max3A_288 [0] : vector<43x87xf32> to vector<87xf32>
    %broadcast_in_dim3A_290 = vector.shape_cast %reduce_max3A_289 : vector<87xf32> to vector<1x87xf32>
    %slice3A_291 = vector.extract_strided_slice %div3A_67 {offsets = [430, 0], sizes = [43, 87], strides = [1, 1]} : vector<1376x87xf32> to vector<43x87xf32>
    %reduce_max3A_292 = arith.constant dense<0xFF800000> : vector<87xf32>
    %reduce_max3A_293 = vector.multi_reduction <maximumf>, %slice3A_291, %reduce_max3A_292 [0] : vector<43x87xf32> to vector<87xf32>
    %broadcast_in_dim3A_294 = vector.shape_cast %reduce_max3A_293 : vector<87xf32> to vector<1x87xf32>
    %slice3A_295 = vector.extract_strided_slice %div3A_67 {offsets = [473, 0], sizes = [43, 87], strides = [1, 1]} : vector<1376x87xf32> to vector<43x87xf32>
    %reduce_max3A_296 = arith.constant dense<0xFF800000> : vector<87xf32>
    %reduce_max3A_297 = vector.multi_reduction <maximumf>, %slice3A_295, %reduce_max3A_296 [0] : vector<43x87xf32> to vector<87xf32>
    %broadcast_in_dim3A_298 = vector.shape_cast %reduce_max3A_297 : vector<87xf32> to vector<1x87xf32>
    %slice3A_299 = vector.extract_strided_slice %div3A_67 {offsets = [516, 0], sizes = [43, 87], strides = [1, 1]} : vector<1376x87xf32> to vector<43x87xf32>
    %reduce_max3A_300 = arith.constant dense<0xFF800000> : vector<87xf32>
    %reduce_max3A_301 = vector.multi_reduction <maximumf>, %slice3A_299, %reduce_max3A_300 [0] : vector<43x87xf32> to vector<87xf32>
    %broadcast_in_dim3A_302 = vector.shape_cast %reduce_max3A_301 : vector<87xf32> to vector<1x87xf32>
    %slice3A_303 = vector.extract_strided_slice %div3A_67 {offsets = [559, 0], sizes = [43, 87], strides = [1, 1]} : vector<1376x87xf32> to vector<43x87xf32>
    %reduce_max3A_304 = arith.constant dense<0xFF800000> : vector<87xf32>
    %reduce_max3A_305 = vector.multi_reduction <maximumf>, %slice3A_303, %reduce_max3A_304 [0] : vector<43x87xf32> to vector<87xf32>
    %broadcast_in_dim3A_306 = vector.shape_cast %reduce_max3A_305 : vector<87xf32> to vector<1x87xf32>
    %slice3A_307 = vector.extract_strided_slice %div3A_67 {offsets = [602, 0], sizes = [43, 87], strides = [1, 1]} : vector<1376x87xf32> to vector<43x87xf32>
    %reduce_max3A_308 = arith.constant dense<0xFF800000> : vector<87xf32>
    %reduce_max3A_309 = vector.multi_reduction <maximumf>, %slice3A_307, %reduce_max3A_308 [0] : vector<43x87xf32> to vector<87xf32>
    %broadcast_in_dim3A_310 = vector.shape_cast %reduce_max3A_309 : vector<87xf32> to vector<1x87xf32>
    %slice3A_311 = vector.extract_strided_slice %div3A_67 {offsets = [645, 0], sizes = [43, 87], strides = [1, 1]} : vector<1376x87xf32> to vector<43x87xf32>
    %reduce_max3A_312 = arith.constant dense<0xFF800000> : vector<87xf32>
    %reduce_max3A_313 = vector.multi_reduction <maximumf>, %slice3A_311, %reduce_max3A_312 [0] : vector<43x87xf32> to vector<87xf32>
    %broadcast_in_dim3A_314 = vector.shape_cast %reduce_max3A_313 : vector<87xf32> to vector<1x87xf32>
    %slice3A_315 = vector.extract_strided_slice %div3A_67 {offsets = [688, 0], sizes = [43, 87], strides = [1, 1]} : vector<1376x87xf32> to vector<43x87xf32>
    %reduce_max3A_316 = arith.constant dense<0xFF800000> : vector<87xf32>
    %reduce_max3A_317 = vector.multi_reduction <maximumf>, %slice3A_315, %reduce_max3A_316 [0] : vector<43x87xf32> to vector<87xf32>
    %broadcast_in_dim3A_318 = vector.shape_cast %reduce_max3A_317 : vector<87xf32> to vector<1x87xf32>
    %slice3A_319 = vector.extract_strided_slice %div3A_67 {offsets = [731, 0], sizes = [43, 87], strides = [1, 1]} : vector<1376x87xf32> to vector<43x87xf32>
    %reduce_max3A_320 = arith.constant dense<0xFF800000> : vector<87xf32>
    %reduce_max3A_321 = vector.multi_reduction <maximumf>, %slice3A_319, %reduce_max3A_320 [0] : vector<43x87xf32> to vector<87xf32>
    %broadcast_in_dim3A_322 = vector.shape_cast %reduce_max3A_321 : vector<87xf32> to vector<1x87xf32>
    %slice3A_323 = vector.extract_strided_slice %div3A_67 {offsets = [774, 0], sizes = [43, 87], strides = [1, 1]} : vector<1376x87xf32> to vector<43x87xf32>
    %reduce_max3A_324 = arith.constant dense<0xFF800000> : vector<87xf32>
    %reduce_max3A_325 = vector.multi_reduction <maximumf>, %slice3A_323, %reduce_max3A_324 [0] : vector<43x87xf32> to vector<87xf32>
    %broadcast_in_dim3A_326 = vector.shape_cast %reduce_max3A_325 : vector<87xf32> to vector<1x87xf32>
    %slice3A_327 = vector.extract_strided_slice %div3A_67 {offsets = [817, 0], sizes = [43, 87], strides = [1, 1]} : vector<1376x87xf32> to vector<43x87xf32>
    %reduce_max3A_328 = arith.constant dense<0xFF800000> : vector<87xf32>
    %reduce_max3A_329 = vector.multi_reduction <maximumf>, %slice3A_327, %reduce_max3A_328 [0] : vector<43x87xf32> to vector<87xf32>
    %broadcast_in_dim3A_330 = vector.shape_cast %reduce_max3A_329 : vector<87xf32> to vector<1x87xf32>
    %slice3A_331 = vector.extract_strided_slice %div3A_67 {offsets = [860, 0], sizes = [43, 87], strides = [1, 1]} : vector<1376x87xf32> to vector<43x87xf32>
    %reduce_max3A_332 = arith.constant dense<0xFF800000> : vector<87xf32>
    %reduce_max3A_333 = vector.multi_reduction <maximumf>, %slice3A_331, %reduce_max3A_332 [0] : vector<43x87xf32> to vector<87xf32>
    %broadcast_in_dim3A_334 = vector.shape_cast %reduce_max3A_333 : vector<87xf32> to vector<1x87xf32>
    %slice3A_335 = vector.extract_strided_slice %div3A_67 {offsets = [903, 0], sizes = [43, 87], strides = [1, 1]} : vector<1376x87xf32> to vector<43x87xf32>
    %reduce_max3A_336 = arith.constant dense<0xFF800000> : vector<87xf32>
    %reduce_max3A_337 = vector.multi_reduction <maximumf>, %slice3A_335, %reduce_max3A_336 [0] : vector<43x87xf32> to vector<87xf32>
    %broadcast_in_dim3A_338 = vector.shape_cast %reduce_max3A_337 : vector<87xf32> to vector<1x87xf32>
    %slice3A_339 = vector.extract_strided_slice %div3A_67 {offsets = [946, 0], sizes = [43, 87], strides = [1, 1]} : vector<1376x87xf32> to vector<43x87xf32>
    %reduce_max3A_340 = arith.constant dense<0xFF800000> : vector<87xf32>
    %reduce_max3A_341 = vector.multi_reduction <maximumf>, %slice3A_339, %reduce_max3A_340 [0] : vector<43x87xf32> to vector<87xf32>
    %broadcast_in_dim3A_342 = vector.shape_cast %reduce_max3A_341 : vector<87xf32> to vector<1x87xf32>
    %slice3A_343 = vector.extract_strided_slice %div3A_67 {offsets = [989, 0], sizes = [43, 87], strides = [1, 1]} : vector<1376x87xf32> to vector<43x87xf32>
    %reduce_max3A_344 = arith.constant dense<0xFF800000> : vector<87xf32>
    %reduce_max3A_345 = vector.multi_reduction <maximumf>, %slice3A_343, %reduce_max3A_344 [0] : vector<43x87xf32> to vector<87xf32>
    %broadcast_in_dim3A_346 = vector.shape_cast %reduce_max3A_345 : vector<87xf32> to vector<1x87xf32>
    %slice3A_347 = vector.extract_strided_slice %div3A_67 {offsets = [1032, 0], sizes = [43, 87], strides = [1, 1]} : vector<1376x87xf32> to vector<43x87xf32>
    %reduce_max3A_348 = arith.constant dense<0xFF800000> : vector<87xf32>
    %reduce_max3A_349 = vector.multi_reduction <maximumf>, %slice3A_347, %reduce_max3A_348 [0] : vector<43x87xf32> to vector<87xf32>
    %broadcast_in_dim3A_350 = vector.shape_cast %reduce_max3A_349 : vector<87xf32> to vector<1x87xf32>
    %slice3A_351 = vector.extract_strided_slice %div3A_67 {offsets = [1075, 0], sizes = [43, 87], strides = [1, 1]} : vector<1376x87xf32> to vector<43x87xf32>
    %reduce_max3A_352 = arith.constant dense<0xFF800000> : vector<87xf32>
    %reduce_max3A_353 = vector.multi_reduction <maximumf>, %slice3A_351, %reduce_max3A_352 [0] : vector<43x87xf32> to vector<87xf32>
    %broadcast_in_dim3A_354 = vector.shape_cast %reduce_max3A_353 : vector<87xf32> to vector<1x87xf32>
    %slice3A_355 = vector.extract_strided_slice %div3A_67 {offsets = [1118, 0], sizes = [43, 87], strides = [1, 1]} : vector<1376x87xf32> to vector<43x87xf32>
    %reduce_max3A_356 = arith.constant dense<0xFF800000> : vector<87xf32>
    %reduce_max3A_357 = vector.multi_reduction <maximumf>, %slice3A_355, %reduce_max3A_356 [0] : vector<43x87xf32> to vector<87xf32>
    %broadcast_in_dim3A_358 = vector.shape_cast %reduce_max3A_357 : vector<87xf32> to vector<1x87xf32>
    %slice3A_359 = vector.extract_strided_slice %div3A_67 {offsets = [1161, 0], sizes = [43, 87], strides = [1, 1]} : vector<1376x87xf32> to vector<43x87xf32>
    %reduce_max3A_360 = arith.constant dense<0xFF800000> : vector<87xf32>
    %reduce_max3A_361 = vector.multi_reduction <maximumf>, %slice3A_359, %reduce_max3A_360 [0] : vector<43x87xf32> to vector<87xf32>
    %broadcast_in_dim3A_362 = vector.shape_cast %reduce_max3A_361 : vector<87xf32> to vector<1x87xf32>
    %slice3A_363 = vector.extract_strided_slice %div3A_67 {offsets = [1204, 0], sizes = [43, 87], strides = [1, 1]} : vector<1376x87xf32> to vector<43x87xf32>
    %reduce_max3A_364 = arith.constant dense<0xFF800000> : vector<87xf32>
    %reduce_max3A_365 = vector.multi_reduction <maximumf>, %slice3A_363, %reduce_max3A_364 [0] : vector<43x87xf32> to vector<87xf32>
    %broadcast_in_dim3A_366 = vector.shape_cast %reduce_max3A_365 : vector<87xf32> to vector<1x87xf32>
    %slice3A_367 = vector.extract_strided_slice %div3A_67 {offsets = [1247, 0], sizes = [43, 87], strides = [1, 1]} : vector<1376x87xf32> to vector<43x87xf32>
    %reduce_max3A_368 = arith.constant dense<0xFF800000> : vector<87xf32>
    %reduce_max3A_369 = vector.multi_reduction <maximumf>, %slice3A_367, %reduce_max3A_368 [0] : vector<43x87xf32> to vector<87xf32>
    %broadcast_in_dim3A_370 = vector.shape_cast %reduce_max3A_369 : vector<87xf32> to vector<1x87xf32>
    %slice3A_371 = vector.extract_strided_slice %div3A_67 {offsets = [1290, 0], sizes = [43, 87], strides = [1, 1]} : vector<1376x87xf32> to vector<43x87xf32>
    %reduce_max3A_372 = arith.constant dense<0xFF800000> : vector<87xf32>
    %reduce_max3A_373 = vector.multi_reduction <maximumf>, %slice3A_371, %reduce_max3A_372 [0] : vector<43x87xf32> to vector<87xf32>
    %broadcast_in_dim3A_374 = vector.shape_cast %reduce_max3A_373 : vector<87xf32> to vector<1x87xf32>
    %slice3A_375 = vector.extract_strided_slice %div3A_67 {offsets = [1333, 0], sizes = [43, 87], strides = [1, 1]} : vector<1376x87xf32> to vector<43x87xf32>
    %reduce_max3A_376 = arith.constant dense<0xFF800000> : vector<87xf32>
    %reduce_max3A_377 = vector.multi_reduction <maximumf>, %slice3A_375, %reduce_max3A_376 [0] : vector<43x87xf32> to vector<87xf32>
    %broadcast_in_dim3A_378 = vector.shape_cast %reduce_max3A_377 : vector<87xf32> to vector<1x87xf32>
    %concatenate3A_379 = tpu.concatenate %broadcast_in_dim3A_254, %broadcast_in_dim3A_258, %broadcast_in_dim3A_262, %broadcast_in_dim3A_266, %broadcast_in_dim3A_270, %broadcast_in_dim3A_274, %broadcast_in_dim3A_278, %broadcast_in_dim3A_282, %broadcast_in_dim3A_286, %broadcast_in_dim3A_290, %broadcast_in_dim3A_294, %broadcast_in_dim3A_298, %broadcast_in_dim3A_302, %broadcast_in_dim3A_306, %broadcast_in_dim3A_310, %broadcast_in_dim3A_314, %broadcast_in_dim3A_318, %broadcast_in_dim3A_322, %broadcast_in_dim3A_326, %broadcast_in_dim3A_330, %broadcast_in_dim3A_334, %broadcast_in_dim3A_338, %broadcast_in_dim3A_342, %broadcast_in_dim3A_346, %broadcast_in_dim3A_350, %broadcast_in_dim3A_354, %broadcast_in_dim3A_358, %broadcast_in_dim3A_362, %broadcast_in_dim3A_366, %broadcast_in_dim3A_370, %broadcast_in_dim3A_374, %broadcast_in_dim3A_378 in 0 : vector<1x87xf32>, vector<1x87xf32>, vector<1x87xf32>, vector<1x87xf32>, vector<1x87xf32>, vector<1x87xf32>, vector<1x87xf32>, vector<1x87xf32>, vector<1x87xf32>, vector<1x87xf32>, vector<1x87xf32>, vector<1x87xf32>, vector<1x87xf32>, vector<1x87xf32>, vector<1x87xf32>, vector<1x87xf32>, vector<1x87xf32>, vector<1x87xf32>, vector<1x87xf32>, vector<1x87xf32>, vector<1x87xf32>, vector<1x87xf32>, vector<1x87xf32>, vector<1x87xf32>, vector<1x87xf32>, vector<1x87xf32>, vector<1x87xf32>, vector<1x87xf32>, vector<1x87xf32>, vector<1x87xf32>, vector<1x87xf32>, vector<1x87xf32> -> vector<32x87xf32>
    %slice3A_380 = vector.extract_strided_slice %div3A_102 {offsets = [0, 0], sizes = [43, 87], strides = [1, 1]} : vector<1376x87xf32> to vector<43x87xf32>
    %reduce_max3A_381 = arith.constant dense<0xFF800000> : vector<87xf32>
    %reduce_max3A_382 = vector.multi_reduction <maximumf>, %slice3A_380, %reduce_max3A_381 [0] : vector<43x87xf32> to vector<87xf32>
    %broadcast_in_dim3A_383 = vector.shape_cast %reduce_max3A_382 : vector<87xf32> to vector<1x87xf32>
    %slice3A_384 = vector.extract_strided_slice %div3A_102 {offsets = [43, 0], sizes = [43, 87], strides = [1, 1]} : vector<1376x87xf32> to vector<43x87xf32>
    %reduce_max3A_385 = arith.constant dense<0xFF800000> : vector<87xf32>
    %reduce_max3A_386 = vector.multi_reduction <maximumf>, %slice3A_384, %reduce_max3A_385 [0] : vector<43x87xf32> to vector<87xf32>
    %broadcast_in_dim3A_387 = vector.shape_cast %reduce_max3A_386 : vector<87xf32> to vector<1x87xf32>
    %slice3A_388 = vector.extract_strided_slice %div3A_102 {offsets = [86, 0], sizes = [43, 87], strides = [1, 1]} : vector<1376x87xf32> to vector<43x87xf32>
    %reduce_max3A_389 = arith.constant dense<0xFF800000> : vector<87xf32>
    %reduce_max3A_390 = vector.multi_reduction <maximumf>, %slice3A_388, %reduce_max3A_389 [0] : vector<43x87xf32> to vector<87xf32>
    %broadcast_in_dim3A_391 = vector.shape_cast %reduce_max3A_390 : vector<87xf32> to vector<1x87xf32>
    %slice3A_392 = vector.extract_strided_slice %div3A_102 {offsets = [129, 0], sizes = [43, 87], strides = [1, 1]} : vector<1376x87xf32> to vector<43x87xf32>
    %reduce_max3A_393 = arith.constant dense<0xFF800000> : vector<87xf32>
    %reduce_max3A_394 = vector.multi_reduction <maximumf>, %slice3A_392, %reduce_max3A_393 [0] : vector<43x87xf32> to vector<87xf32>
    %broadcast_in_dim3A_395 = vector.shape_cast %reduce_max3A_394 : vector<87xf32> to vector<1x87xf32>
    %slice3A_396 = vector.extract_strided_slice %div3A_102 {offsets = [172, 0], sizes = [43, 87], strides = [1, 1]} : vector<1376x87xf32> to vector<43x87xf32>
    %reduce_max3A_397 = arith.constant dense<0xFF800000> : vector<87xf32>
    %reduce_max3A_398 = vector.multi_reduction <maximumf>, %slice3A_396, %reduce_max3A_397 [0] : vector<43x87xf32> to vector<87xf32>
    %broadcast_in_dim3A_399 = vector.shape_cast %reduce_max3A_398 : vector<87xf32> to vector<1x87xf32>
    %slice3A_400 = vector.extract_strided_slice %div3A_102 {offsets = [215, 0], sizes = [43, 87], strides = [1, 1]} : vector<1376x87xf32> to vector<43x87xf32>
    %reduce_max3A_401 = arith.constant dense<0xFF800000> : vector<87xf32>
    %reduce_max3A_402 = vector.multi_reduction <maximumf>, %slice3A_400, %reduce_max3A_401 [0] : vector<43x87xf32> to vector<87xf32>
    %broadcast_in_dim3A_403 = vector.shape_cast %reduce_max3A_402 : vector<87xf32> to vector<1x87xf32>
    %slice3A_404 = vector.extract_strided_slice %div3A_102 {offsets = [258, 0], sizes = [43, 87], strides = [1, 1]} : vector<1376x87xf32> to vector<43x87xf32>
    %reduce_max3A_405 = arith.constant dense<0xFF800000> : vector<87xf32>
    %reduce_max3A_406 = vector.multi_reduction <maximumf>, %slice3A_404, %reduce_max3A_405 [0] : vector<43x87xf32> to vector<87xf32>
    %broadcast_in_dim3A_407 = vector.shape_cast %reduce_max3A_406 : vector<87xf32> to vector<1x87xf32>
    %slice3A_408 = vector.extract_strided_slice %div3A_102 {offsets = [301, 0], sizes = [43, 87], strides = [1, 1]} : vector<1376x87xf32> to vector<43x87xf32>
    %reduce_max3A_409 = arith.constant dense<0xFF800000> : vector<87xf32>
    %reduce_max3A_410 = vector.multi_reduction <maximumf>, %slice3A_408, %reduce_max3A_409 [0] : vector<43x87xf32> to vector<87xf32>
    %broadcast_in_dim3A_411 = vector.shape_cast %reduce_max3A_410 : vector<87xf32> to vector<1x87xf32>
    %slice3A_412 = vector.extract_strided_slice %div3A_102 {offsets = [344, 0], sizes = [43, 87], strides = [1, 1]} : vector<1376x87xf32> to vector<43x87xf32>
    %reduce_max3A_413 = arith.constant dense<0xFF800000> : vector<87xf32>
    %reduce_max3A_414 = vector.multi_reduction <maximumf>, %slice3A_412, %reduce_max3A_413 [0] : vector<43x87xf32> to vector<87xf32>
    %broadcast_in_dim3A_415 = vector.shape_cast %reduce_max3A_414 : vector<87xf32> to vector<1x87xf32>
    %slice3A_416 = vector.extract_strided_slice %div3A_102 {offsets = [387, 0], sizes = [43, 87], strides = [1, 1]} : vector<1376x87xf32> to vector<43x87xf32>
    %reduce_max3A_417 = arith.constant dense<0xFF800000> : vector<87xf32>
    %reduce_max3A_418 = vector.multi_reduction <maximumf>, %slice3A_416, %reduce_max3A_417 [0] : vector<43x87xf32> to vector<87xf32>
    %broadcast_in_dim3A_419 = vector.shape_cast %reduce_max3A_418 : vector<87xf32> to vector<1x87xf32>
    %slice3A_420 = vector.extract_strided_slice %div3A_102 {offsets = [430, 0], sizes = [43, 87], strides = [1, 1]} : vector<1376x87xf32> to vector<43x87xf32>
    %reduce_max3A_421 = arith.constant dense<0xFF800000> : vector<87xf32>
    %reduce_max3A_422 = vector.multi_reduction <maximumf>, %slice3A_420, %reduce_max3A_421 [0] : vector<43x87xf32> to vector<87xf32>
    %broadcast_in_dim3A_423 = vector.shape_cast %reduce_max3A_422 : vector<87xf32> to vector<1x87xf32>
    %slice3A_424 = vector.extract_strided_slice %div3A_102 {offsets = [473, 0], sizes = [43, 87], strides = [1, 1]} : vector<1376x87xf32> to vector<43x87xf32>
    %reduce_max3A_425 = arith.constant dense<0xFF800000> : vector<87xf32>
    %reduce_max3A_426 = vector.multi_reduction <maximumf>, %slice3A_424, %reduce_max3A_425 [0] : vector<43x87xf32> to vector<87xf32>
    %broadcast_in_dim3A_427 = vector.shape_cast %reduce_max3A_426 : vector<87xf32> to vector<1x87xf32>
    %slice3A_428 = vector.extract_strided_slice %div3A_102 {offsets = [516, 0], sizes = [43, 87], strides = [1, 1]} : vector<1376x87xf32> to vector<43x87xf32>
    %reduce_max3A_429 = arith.constant dense<0xFF800000> : vector<87xf32>
    %reduce_max3A_430 = vector.multi_reduction <maximumf>, %slice3A_428, %reduce_max3A_429 [0] : vector<43x87xf32> to vector<87xf32>
    %broadcast_in_dim3A_431 = vector.shape_cast %reduce_max3A_430 : vector<87xf32> to vector<1x87xf32>
    %slice3A_432 = vector.extract_strided_slice %div3A_102 {offsets = [559, 0], sizes = [43, 87], strides = [1, 1]} : vector<1376x87xf32> to vector<43x87xf32>
    %reduce_max3A_433 = arith.constant dense<0xFF800000> : vector<87xf32>
    %reduce_max3A_434 = vector.multi_reduction <maximumf>, %slice3A_432, %reduce_max3A_433 [0] : vector<43x87xf32> to vector<87xf32>
    %broadcast_in_dim3A_435 = vector.shape_cast %reduce_max3A_434 : vector<87xf32> to vector<1x87xf32>
    %slice3A_436 = vector.extract_strided_slice %div3A_102 {offsets = [602, 0], sizes = [43, 87], strides = [1, 1]} : vector<1376x87xf32> to vector<43x87xf32>
    %reduce_max3A_437 = arith.constant dense<0xFF800000> : vector<87xf32>
    %reduce_max3A_438 = vector.multi_reduction <maximumf>, %slice3A_436, %reduce_max3A_437 [0] : vector<43x87xf32> to vector<87xf32>
    %broadcast_in_dim3A_439 = vector.shape_cast %reduce_max3A_438 : vector<87xf32> to vector<1x87xf32>
    %slice3A_440 = vector.extract_strided_slice %div3A_102 {offsets = [645, 0], sizes = [43, 87], strides = [1, 1]} : vector<1376x87xf32> to vector<43x87xf32>
    %reduce_max3A_441 = arith.constant dense<0xFF800000> : vector<87xf32>
    %reduce_max3A_442 = vector.multi_reduction <maximumf>, %slice3A_440, %reduce_max3A_441 [0] : vector<43x87xf32> to vector<87xf32>
    %broadcast_in_dim3A_443 = vector.shape_cast %reduce_max3A_442 : vector<87xf32> to vector<1x87xf32>
    %slice3A_444 = vector.extract_strided_slice %div3A_102 {offsets = [688, 0], sizes = [43, 87], strides = [1, 1]} : vector<1376x87xf32> to vector<43x87xf32>
    %reduce_max3A_445 = arith.constant dense<0xFF800000> : vector<87xf32>
    %reduce_max3A_446 = vector.multi_reduction <maximumf>, %slice3A_444, %reduce_max3A_445 [0] : vector<43x87xf32> to vector<87xf32>
    %broadcast_in_dim3A_447 = vector.shape_cast %reduce_max3A_446 : vector<87xf32> to vector<1x87xf32>
    %slice3A_448 = vector.extract_strided_slice %div3A_102 {offsets = [731, 0], sizes = [43, 87], strides = [1, 1]} : vector<1376x87xf32> to vector<43x87xf32>
    %reduce_max3A_449 = arith.constant dense<0xFF800000> : vector<87xf32>
    %reduce_max3A_450 = vector.multi_reduction <maximumf>, %slice3A_448, %reduce_max3A_449 [0] : vector<43x87xf32> to vector<87xf32>
    %broadcast_in_dim3A_451 = vector.shape_cast %reduce_max3A_450 : vector<87xf32> to vector<1x87xf32>
    %slice3A_452 = vector.extract_strided_slice %div3A_102 {offsets = [774, 0], sizes = [43, 87], strides = [1, 1]} : vector<1376x87xf32> to vector<43x87xf32>
    %reduce_max3A_453 = arith.constant dense<0xFF800000> : vector<87xf32>
    %reduce_max3A_454 = vector.multi_reduction <maximumf>, %slice3A_452, %reduce_max3A_453 [0] : vector<43x87xf32> to vector<87xf32>
    %broadcast_in_dim3A_455 = vector.shape_cast %reduce_max3A_454 : vector<87xf32> to vector<1x87xf32>
    %slice3A_456 = vector.extract_strided_slice %div3A_102 {offsets = [817, 0], sizes = [43, 87], strides = [1, 1]} : vector<1376x87xf32> to vector<43x87xf32>
    %reduce_max3A_457 = arith.constant dense<0xFF800000> : vector<87xf32>
    %reduce_max3A_458 = vector.multi_reduction <maximumf>, %slice3A_456, %reduce_max3A_457 [0] : vector<43x87xf32> to vector<87xf32>
    %broadcast_in_dim3A_459 = vector.shape_cast %reduce_max3A_458 : vector<87xf32> to vector<1x87xf32>
    %slice3A_460 = vector.extract_strided_slice %div3A_102 {offsets = [860, 0], sizes = [43, 87], strides = [1, 1]} : vector<1376x87xf32> to vector<43x87xf32>
    %reduce_max3A_461 = arith.constant dense<0xFF800000> : vector<87xf32>
    %reduce_max3A_462 = vector.multi_reduction <maximumf>, %slice3A_460, %reduce_max3A_461 [0] : vector<43x87xf32> to vector<87xf32>
    %broadcast_in_dim3A_463 = vector.shape_cast %reduce_max3A_462 : vector<87xf32> to vector<1x87xf32>
    %slice3A_464 = vector.extract_strided_slice %div3A_102 {offsets = [903, 0], sizes = [43, 87], strides = [1, 1]} : vector<1376x87xf32> to vector<43x87xf32>
    %reduce_max3A_465 = arith.constant dense<0xFF800000> : vector<87xf32>
    %reduce_max3A_466 = vector.multi_reduction <maximumf>, %slice3A_464, %reduce_max3A_465 [0] : vector<43x87xf32> to vector<87xf32>
    %broadcast_in_dim3A_467 = vector.shape_cast %reduce_max3A_466 : vector<87xf32> to vector<1x87xf32>
    %slice3A_468 = vector.extract_strided_slice %div3A_102 {offsets = [946, 0], sizes = [43, 87], strides = [1, 1]} : vector<1376x87xf32> to vector<43x87xf32>
    %reduce_max3A_469 = arith.constant dense<0xFF800000> : vector<87xf32>
    %reduce_max3A_470 = vector.multi_reduction <maximumf>, %slice3A_468, %reduce_max3A_469 [0] : vector<43x87xf32> to vector<87xf32>
    %broadcast_in_dim3A_471 = vector.shape_cast %reduce_max3A_470 : vector<87xf32> to vector<1x87xf32>
    %slice3A_472 = vector.extract_strided_slice %div3A_102 {offsets = [989, 0], sizes = [43, 87], strides = [1, 1]} : vector<1376x87xf32> to vector<43x87xf32>
    %reduce_max3A_473 = arith.constant dense<0xFF800000> : vector<87xf32>
    %reduce_max3A_474 = vector.multi_reduction <maximumf>, %slice3A_472, %reduce_max3A_473 [0] : vector<43x87xf32> to vector<87xf32>
    %broadcast_in_dim3A_475 = vector.shape_cast %reduce_max3A_474 : vector<87xf32> to vector<1x87xf32>
    %slice3A_476 = vector.extract_strided_slice %div3A_102 {offsets = [1032, 0], sizes = [43, 87], strides = [1, 1]} : vector<1376x87xf32> to vector<43x87xf32>
    %reduce_max3A_477 = arith.constant dense<0xFF800000> : vector<87xf32>
    %reduce_max3A_478 = vector.multi_reduction <maximumf>, %slice3A_476, %reduce_max3A_477 [0] : vector<43x87xf32> to vector<87xf32>
    %broadcast_in_dim3A_479 = vector.shape_cast %reduce_max3A_478 : vector<87xf32> to vector<1x87xf32>
    %slice3A_480 = vector.extract_strided_slice %div3A_102 {offsets = [1075, 0], sizes = [43, 87], strides = [1, 1]} : vector<1376x87xf32> to vector<43x87xf32>
    %reduce_max3A_481 = arith.constant dense<0xFF800000> : vector<87xf32>
    %reduce_max3A_482 = vector.multi_reduction <maximumf>, %slice3A_480, %reduce_max3A_481 [0] : vector<43x87xf32> to vector<87xf32>
    %broadcast_in_dim3A_483 = vector.shape_cast %reduce_max3A_482 : vector<87xf32> to vector<1x87xf32>
    %slice3A_484 = vector.extract_strided_slice %div3A_102 {offsets = [1118, 0], sizes = [43, 87], strides = [1, 1]} : vector<1376x87xf32> to vector<43x87xf32>
    %reduce_max3A_485 = arith.constant dense<0xFF800000> : vector<87xf32>
    %reduce_max3A_486 = vector.multi_reduction <maximumf>, %slice3A_484, %reduce_max3A_485 [0] : vector<43x87xf32> to vector<87xf32>
    %broadcast_in_dim3A_487 = vector.shape_cast %reduce_max3A_486 : vector<87xf32> to vector<1x87xf32>
    %slice3A_488 = vector.extract_strided_slice %div3A_102 {offsets = [1161, 0], sizes = [43, 87], strides = [1, 1]} : vector<1376x87xf32> to vector<43x87xf32>
    %reduce_max3A_489 = arith.constant dense<0xFF800000> : vector<87xf32>
    %reduce_max3A_490 = vector.multi_reduction <maximumf>, %slice3A_488, %reduce_max3A_489 [0] : vector<43x87xf32> to vector<87xf32>
    %broadcast_in_dim3A_491 = vector.shape_cast %reduce_max3A_490 : vector<87xf32> to vector<1x87xf32>
    %slice3A_492 = vector.extract_strided_slice %div3A_102 {offsets = [1204, 0], sizes = [43, 87], strides = [1, 1]} : vector<1376x87xf32> to vector<43x87xf32>
    %reduce_max3A_493 = arith.constant dense<0xFF800000> : vector<87xf32>
    %reduce_max3A_494 = vector.multi_reduction <maximumf>, %slice3A_492, %reduce_max3A_493 [0] : vector<43x87xf32> to vector<87xf32>
    %broadcast_in_dim3A_495 = vector.shape_cast %reduce_max3A_494 : vector<87xf32> to vector<1x87xf32>
    %slice3A_496 = vector.extract_strided_slice %div3A_102 {offsets = [1247, 0], sizes = [43, 87], strides = [1, 1]} : vector<1376x87xf32> to vector<43x87xf32>
    %reduce_max3A_497 = arith.constant dense<0xFF800000> : vector<87xf32>
    %reduce_max3A_498 = vector.multi_reduction <maximumf>, %slice3A_496, %reduce_max3A_497 [0] : vector<43x87xf32> to vector<87xf32>
    %broadcast_in_dim3A_499 = vector.shape_cast %reduce_max3A_498 : vector<87xf32> to vector<1x87xf32>
    %slice3A_500 = vector.extract_strided_slice %div3A_102 {offsets = [1290, 0], sizes = [43, 87], strides = [1, 1]} : vector<1376x87xf32> to vector<43x87xf32>
    %reduce_max3A_501 = arith.constant dense<0xFF800000> : vector<87xf32>
    %reduce_max3A_502 = vector.multi_reduction <maximumf>, %slice3A_500, %reduce_max3A_501 [0] : vector<43x87xf32> to vector<87xf32>
    %broadcast_in_dim3A_503 = vector.shape_cast %reduce_max3A_502 : vector<87xf32> to vector<1x87xf32>
    %slice3A_504 = vector.extract_strided_slice %div3A_102 {offsets = [1333, 0], sizes = [43, 87], strides = [1, 1]} : vector<1376x87xf32> to vector<43x87xf32>
    %reduce_max3A_505 = arith.constant dense<0xFF800000> : vector<87xf32>
    %reduce_max3A_506 = vector.multi_reduction <maximumf>, %slice3A_504, %reduce_max3A_505 [0] : vector<43x87xf32> to vector<87xf32>
    %broadcast_in_dim3A_507 = vector.shape_cast %reduce_max3A_506 : vector<87xf32> to vector<1x87xf32>
    %concatenate3A_508 = tpu.concatenate %broadcast_in_dim3A_383, %broadcast_in_dim3A_387, %broadcast_in_dim3A_391, %broadcast_in_dim3A_395, %broadcast_in_dim3A_399, %broadcast_in_dim3A_403, %broadcast_in_dim3A_407, %broadcast_in_dim3A_411, %broadcast_in_dim3A_415, %broadcast_in_dim3A_419, %broadcast_in_dim3A_423, %broadcast_in_dim3A_427, %broadcast_in_dim3A_431, %broadcast_in_dim3A_435, %broadcast_in_dim3A_439, %broadcast_in_dim3A_443, %broadcast_in_dim3A_447, %broadcast_in_dim3A_451, %broadcast_in_dim3A_455, %broadcast_in_dim3A_459, %broadcast_in_dim3A_463, %broadcast_in_dim3A_467, %broadcast_in_dim3A_471, %broadcast_in_dim3A_475, %broadcast_in_dim3A_479, %broadcast_in_dim3A_483, %broadcast_in_dim3A_487, %broadcast_in_dim3A_491, %broadcast_in_dim3A_495, %broadcast_in_dim3A_499, %broadcast_in_dim3A_503, %broadcast_in_dim3A_507 in 0 : vector<1x87xf32>, vector<1x87xf32>, vector<1x87xf32>, vector<1x87xf32>, vector<1x87xf32>, vector<1x87xf32>, vector<1x87xf32>, vector<1x87xf32>, vector<1x87xf32>, vector<1x87xf32>, vector<1x87xf32>, vector<1x87xf32>, vector<1x87xf32>, vector<1x87xf32>, vector<1x87xf32>, vector<1x87xf32>, vector<1x87xf32>, vector<1x87xf32>, vector<1x87xf32>, vector<1x87xf32>, vector<1x87xf32>, vector<1x87xf32>, vector<1x87xf32>, vector<1x87xf32>, vector<1x87xf32>, vector<1x87xf32>, vector<1x87xf32>, vector<1x87xf32>, vector<1x87xf32>, vector<1x87xf32>, vector<1x87xf32>, vector<1x87xf32> -> vector<32x87xf32>
    %max3A_509 = arith.maximumf %concatenate3A, %concatenate3A_379 : vector<32x87xf32>
    %gt3A = arith.cmpf ogt, %concatenate3A_508, %max3A_509 : vector<32x87xf32>
    %gt3A_510 = arith.cmpf ogt, %concatenate3A_379, %concatenate3A : vector<32x87xf32>
    %not3A = arith.constant dense<true> : vector<32x87xi1>
    %not3A_511 = arith.xori %gt3A, %not3A : vector<32x87xi1>
    %and3A = arith.andi %gt3A_510, %not3A_511 : vector<32x87xi1>
    %or3A = arith.ori %and3A, %gt3A : vector<32x87xi1>
    %not3A_512 = arith.constant dense<true> : vector<32x87xi1>
    %not3A_513 = arith.xori %or3A, %not3A_512 : vector<32x87xi1>
    %iota3A = tpu.iota {dimensions = array<i32: 0>} : vector<1376x32xi32>
    %jit3A = arith.constant 43 : i32
    %div3A_514 = vector.broadcast %jit3A : i32 to vector<1376x32xi32>
    %div3A_515 = arith.divsi %iota3A, %div3A_514 : vector<1376x32xi32>
    %sign3A = arith.constant 0 : i32
    %sign3A_516 = vector.broadcast %sign3A : i32 to vector<1376x32xi32>
    %sign3A_517 = arith.cmpi sgt, %iota3A, %sign3A_516 : vector<1376x32xi32>
    %sign3A_518 = arith.extui %sign3A_517 : vector<1376x32xi1> to vector<1376x32xi32>
    %sign3A_519 = arith.constant 0 : i32
    %sign3A_520 = vector.broadcast %sign3A_519 : i32 to vector<1376x32xi32>
    %sign3A_521 = arith.cmpi slt, %iota3A, %sign3A_520 : vector<1376x32xi32>
    %sign3A_522 = arith.extui %sign3A_521 : vector<1376x32xi1> to vector<1376x32xi32>
    %sign3A_523 = arith.subi %sign3A_518, %sign3A_522 : vector<1376x32xi32>
    %sign3A_524 = arith.constant 0 : i32
    %sign3A_525 = arith.cmpi sgt, %jit3A, %sign3A_524 : i32
    %sign3A_526 = arith.extui %sign3A_525 : i1 to i32
    %sign3A_527 = arith.constant 0 : i32
    %sign3A_528 = arith.cmpi slt, %jit3A, %sign3A_527 : i32
    %sign3A_529 = arith.extui %sign3A_528 : i1 to i32
    %sign3A_530 = arith.subi %sign3A_526, %sign3A_529 : i32
    %ne3A = vector.broadcast %sign3A_530 : i32 to vector<1376x32xi32>
    %ne3A_531 = arith.cmpi ne, %sign3A_523, %ne3A : vector<1376x32xi32>
    %rem3A = vector.broadcast %jit3A : i32 to vector<1376x32xi32>
    %rem3A_532 = arith.remsi %iota3A, %rem3A : vector<1376x32xi32>
    %ne3A_533 = arith.constant 0 : i32
    %ne3A_534 = vector.broadcast %ne3A_533 : i32 to vector<1376x32xi32>
    %ne3A_535 = arith.cmpi ne, %rem3A_532, %ne3A_534 : vector<1376x32xi32>
    %and3A_536 = arith.andi %ne3A_531, %ne3A_535 : vector<1376x32xi1>
    %sub3A_537 = arith.constant 1 : i32
    %sub3A_538 = vector.broadcast %sub3A_537 : i32 to vector<1376x32xi32>
    %sub3A_539 = arith.subi %div3A_515, %sub3A_538 : vector<1376x32xi32>
    %select_n3A = arith.select %and3A_536, %sub3A_539, %div3A_515 : vector<1376x32xi1>, vector<1376x32xi32>
    %iota3A_540 = tpu.iota {dimensions = array<i32: 1>} : vector<1376x32xi32>
    %eq3A = arith.cmpi eq, %select_n3A, %iota3A_540 : vector<1376x32xi32>
    %convert_element_type3A = arith.extui %eq3A : vector<1376x32xi1> to vector<1376x32xi32>
    %convert_element_type3A_541 = arith.sitofp %convert_element_type3A : vector<1376x32xi32> to vector<1376x32xf32>
    %broadcast_in_dim3A_542 = arith.constant 0.000000e+00 : f32
    %broadcast_in_dim3A_543 = vector.broadcast %broadcast_in_dim3A_542 : f32 to vector<1376x768xf32>
    %convert_element_type3A_544 = arith.extui %not3A_513 : vector<32x87xi1> to vector<32x87xi32>
    %convert_element_type3A_545 = arith.sitofp %convert_element_type3A_544 : vector<32x87xi32> to vector<32x87xf32>
    %dot_general3A_546 = arith.constant dense<0.000000e+00> : vector<1376x87xf32>
    %dot_general3A_547 = tpu.matmul %convert_element_type3A_541, %convert_element_type3A_545, %dot_general3A_546 {dimension_numbers = #tpu.dot_dimension_numbers<[1], [0], [0], [1], [0, 0, 1, 1], [], []>, transpose_lhs_hint = false} : vector<1376x32xf32>, vector<32x87xf32>, vector<1376x87xf32> -> vector<1376x87xf32>
    %mul3A_548 = arith.mulf %div3A_121, %dot_general3A_547 : vector<1376x87xf32>
    %get3A_549 = arith.constant 0 : index
    %get3A_550 = arith.constant 0 : index
    %get3A_551 = arith.constant 0 : index
    %get3A_552 = vector.load %arg3[%get3A_549, %get3A_550, %get3A_551] : memref<3x87x768xf32, #tpu.memory_space<vmem>>, vector<1x87x768xf32>
    %get3A_553 = vector.shape_cast %get3A_552 : vector<1x87x768xf32> to vector<87x768xf32>
    %dot_general3A_554 = arith.constant dense<0.000000e+00> : vector<1376x768xf32>
    %dot_general3A_555 = tpu.matmul %mul3A_548, %get3A_553, %dot_general3A_554 {dimension_numbers = #tpu.dot_dimension_numbers<[1], [0], [0], [1], [0, 0, 1, 1], [], []>, transpose_lhs_hint = false} : vector<1376x87xf32>, vector<87x768xf32>, vector<1376x768xf32> -> vector<1376x768xf32>
    %add3A_556 = arith.addf %broadcast_in_dim3A_543, %dot_general3A_555 : vector<1376x768xf32>
    %convert_element_type3A_557 = arith.extui %and3A : vector<32x87xi1> to vector<32x87xi32>
    %convert_element_type3A_558 = arith.sitofp %convert_element_type3A_557 : vector<32x87xi32> to vector<32x87xf32>
    %dot_general3A_559 = arith.constant dense<0.000000e+00> : vector<1376x87xf32>
    %dot_general3A_560 = tpu.matmul %convert_element_type3A_541, %convert_element_type3A_558, %dot_general3A_559 {dimension_numbers = #tpu.dot_dimension_numbers<[1], [0], [0], [1], [0, 0, 1, 1], [], []>, transpose_lhs_hint = false} : vector<1376x32xf32>, vector<32x87xf32>, vector<1376x87xf32> -> vector<1376x87xf32>
    %mul3A_561 = arith.mulf %div3A_121, %dot_general3A_560 : vector<1376x87xf32>
    %get3A_562 = arith.constant 1 : index
    %get3A_563 = arith.constant 0 : index
    %get3A_564 = arith.constant 0 : index
    %get3A_565 = vector.load %arg3[%get3A_562, %get3A_563, %get3A_564] : memref<3x87x768xf32, #tpu.memory_space<vmem>>, vector<1x87x768xf32>
    %get3A_566 = vector.shape_cast %get3A_565 : vector<1x87x768xf32> to vector<87x768xf32>
    %dot_general3A_567 = arith.constant dense<0.000000e+00> : vector<1376x768xf32>
    %dot_general3A_568 = tpu.matmul %mul3A_561, %get3A_566, %dot_general3A_567 {dimension_numbers = #tpu.dot_dimension_numbers<[1], [0], [0], [1], [0, 0, 1, 1], [], []>, transpose_lhs_hint = false} : vector<1376x87xf32>, vector<87x768xf32>, vector<1376x768xf32> -> vector<1376x768xf32>
    %add3A_569 = arith.addf %add3A_556, %dot_general3A_568 : vector<1376x768xf32>
    %convert_element_type3A_570 = arith.extui %gt3A : vector<32x87xi1> to vector<32x87xi32>
    %convert_element_type3A_571 = arith.sitofp %convert_element_type3A_570 : vector<32x87xi32> to vector<32x87xf32>
    %dot_general3A_572 = arith.constant dense<0.000000e+00> : vector<1376x87xf32>
    %dot_general3A_573 = tpu.matmul %convert_element_type3A_541, %convert_element_type3A_571, %dot_general3A_572 {dimension_numbers = #tpu.dot_dimension_numbers<[1], [0], [0], [1], [0, 0, 1, 1], [], []>, transpose_lhs_hint = false} : vector<1376x32xf32>, vector<32x87xf32>, vector<1376x87xf32> -> vector<1376x87xf32>
    %mul3A_574 = arith.mulf %div3A_121, %dot_general3A_573 : vector<1376x87xf32>
    %get3A_575 = arith.constant 2 : index
    %get3A_576 = arith.constant 0 : index
    %get3A_577 = arith.constant 0 : index
    %get3A_578 = vector.load %arg3[%get3A_575, %get3A_576, %get3A_577] : memref<3x87x768xf32, #tpu.memory_space<vmem>>, vector<1x87x768xf32>
    %get3A_579 = vector.shape_cast %get3A_578 : vector<1x87x768xf32> to vector<87x768xf32>
    %dot_general3A_580 = arith.constant dense<0.000000e+00> : vector<1376x768xf32>
    %dot_general3A_581 = tpu.matmul %mul3A_574, %get3A_579, %dot_general3A_580 {dimension_numbers = #tpu.dot_dimension_numbers<[1], [0], [0], [1], [0, 0, 1, 1], [], []>, transpose_lhs_hint = false} : vector<1376x87xf32>, vector<87x768xf32>, vector<1376x768xf32> -> vector<1376x768xf32>
    %add3A_582 = arith.addf %add3A_569, %dot_general3A_581 : vector<1376x768xf32>
    %swap3A_583 = arith.constant 0 : index
    %swap3A_584 = arith.constant 0 : index
    %swap3A_585 = vector.load %arg4[%swap3A_583, %swap3A_584] : memref<1376x768xf32, #tpu.memory_space<vmem>>, vector<1376x768xf32>
    tpu.vector_store %arg4[%swap3A_583, %swap3A_584], %add3A_582 {strides = array<i32>} : memref<1376x768xf32, #tpu.memory_space<vmem>>, vector<1376x768xf32>,
    return
  }
  func.func @transform_0(%arg0: i32) -> (i32, i32) {
    %c0_i32 = arith.constant 0 : i32
    %c0_i32_0 = arith.constant 0 : i32
    return %arg0, %c0_i32 : i32, i32
  }
  func.func @transform_1(%arg0: i32) -> (i32, i32) {
    %c0_i32 = arith.constant 0 : i32
    %c0_i32_0 = arith.constant 0 : i32
    return %arg0, %c0_i32 : i32, i32
  }
  func.func @transform_2(%arg0: i32) -> (i32, i32, i32) {
    %c0_i32 = arith.constant 0 : i32
    %c0_i32_0 = arith.constant 0 : i32
    %c0_i32_1 = arith.constant 0 : i32
    %c0_i32_2 = arith.constant 0 : i32
    return %c0_i32, %c0_i32_0, %c0_i32_1 : i32, i32, i32
  }
  func.func @transform_3(%arg0: i32) -> (i32, i32) {
    %c0_i32 = arith.constant 0 : i32
    %c0_i32_0 = arith.constant 0 : i32
    return %arg0, %c0_i32 : i32, i32
  }
  func.func @transform_4(%arg0: i32) -> (i32, i32) {
    %c0_i32 = arith.constant 0 : i32
    %c0_i32_0 = arith.constant 0 : i32
    return %arg0, %c0_i32 : i32, i32
  }
}

</mosaic_0001>

<sc_bundles>
// kernel: sparse-core-data-format-call.cloned.1.call-start
scs
called_computation_lowered:
.L_overlay_start_0:
0x0: {  	s2 =	sld [smem:$0x3FD9]  }
0x1: {  	s3 =	sld [smem:$0x3FFE];
	_ =	sdelay $0x1  }
0x2: {  	s1 =	srdreg.scid  }
0x3: {  	s0 =	sand.u32 $0x1, s1  }
0x4: {  	s15 =	sshll.u32 s0, $0xA;
	s2 =	sadd.s32 s3, s2  }
0x5: {  	s2 =	sadd.s32 s2, s15  }
0x6: {  	[smem:$0x3FC5] =	sst s2  }
0x7: {  	_ = 	snop  }
0x8: {  	s2 =	sld [smem:$0x3FD0];
	_ =	sdelay $0x2  }
0x9: {  	s16 =	simm.s32 $0xA;
	s4 =	simm.s32 $0x10  }
0xa: {  	[smem:s4], [sflag:s16] =	dma.local [hbm:s2], $0x1  }
0xb: {  	_ =	swait.eq [sflag:s16], $0x1  }
0xc: {  	[sflag:s16] =	ssyncset.done $0x0  }
0xd: {  	[sflag:s16] =	ssyncadd.s32 $0xFFFFFFFF  }
0xe: {  	s17 =	sld [smem:$0x10];
	(tm) =	ssettm $0x1  }
0xf: {  	s18 =	sld [smem:$0x3FFB];
	_ =	sdelay $0x3  }
0x10: {  	_ =	strace s18  }
0x11: {  	s3 =	sld [smem:$0x3FFC];
	_ =	sdelay $0x3  }
0x12: {  	_ =	strace s3  }
0x13: {  	s3 =	sld [smem:$0x3FFD];
	_ =	sdelay $0x3  }
0x14: {  	_ =	strace s3  }
0x15: {  	_ =	strace $0x8FFFFFFF  }
0x16: {  	s19 =	sld [smem:$0x3FDB];
	_ =	sdelay $0x1  }
0x17: {  	s20 =	simm.s32 $_scs_section_size  }
0x18: {  	s5 =	simm.s32 $_size__tile_overlayer_lowered;
	s6 =	simm.s32 $_tile_overlayer_lowered  }
0x19: {  	s23 =	simm.s32 $0x1BFF;
	s22 =	sshll.u32 s6, $0x1;
	s3 =	sadd.s32 s20, s19  }
0x1a: {  	s7 =	simm.s32 $0x0;
	s21 =	sshll.u32 s5, $0x1;
	s5 =	sadd.s32 s22, s3  }
0x1b: {  	[timem:s7], [sflag:s23] =	dma.local [hbm:s5], s21  }
0x1c: {  	_ =	swait.ge [sflag:s23], s21  }
0x1d: {  	s4 =	ssub.s32 $0x0, s21;
	[sflag:s23] =	ssyncset.done $0x0  }
0x1e: {  	[sflag:s23] =	ssyncadd.s32 s4;
	_ =	sdelay $0x1  }
0x1f: {  	s24 =	simm.s32 $0x1B8B  }
0x20: {  	_ =	swait.ge [sflag:s24], $0x1  }
0x21: {  	[sflag:s24] =	ssyncset.done $0x0  }
0x22: {  	s26 =	simm.s32 $0x1B8E;
	s25 =	sld [smem:$0x3FFE];
	[sflag:s24] =	ssyncadd.s32 $0xFFFFFFFF  }
0x23: {  	s27 =	simm.s32 $execute0_lowered;
	[smem:$0x3FD2] =	sst s26  }
0x24: {  	s5 =	sshll.u32 s27, $0x1;
	_ =	strace $0x80000046;
	[dreg:$0x1] =	wrdreg $0xFFFFFFFF  }
0x25: {  	s28 =	simm.s32 $_size_execute0_lowered;
	s3 =	sadd.s32 s3, s5;
	[dreg:$0x0] =	wrdreg $0x0  }
0x26: {  	s5 =	sshll.u32 s28, $0x1;
	[dreg:$0x2] =	wrdreg s3  }
0x27: {  	[dreg:$0x3] =	wrdreg s5  }
0x28: {  	[dreg:$0x4] =	wrdreg $0xC0  }
0x29: {  	_ =	task [dreg:s7], $0x5FFFF  }
0x2a: {  	[dreg:$0x1] =	wrdreg $0xFFFFFFFF  }
0x2b: {  	[dreg:$0x0] =	wrdreg $0x60  }
0x2c: {  	[dreg:$0x2] =	wrdreg s25  }
0x2d: {  	[dreg:$0x3] =	wrdreg s17  }
0x2e: {  	[dreg:$0x4] =	wrdreg $0x9  }
0x2f: {  	_ =	task.clear_ibuf [dreg:s7], $0x5FFFF;
	_ =	strace $0x90000046  }
0x30: {  	s29 =	simm.s32 $0x9;
	_ =	strace $0x80000048  }
0x31: {  	_ =	swait.ge [sflag:s29], $0x1  }
0x32: {  	[sflag:s29] =	ssyncadd.s32 $0xFFFFFFFF  }
0x33: {  	_ =	strace $0x90000048  }
0x34: {  	_ =	sfence  }
0x35: {  	s30 =	sld [smem:$0x0];
	_ =	sdelay $0x2  }
0x36: {  	s31 =	sshll.u32 s1, $0xD;
	s1 =	sshrl.u32 s1, $0x2  }
0x37: {  	s3 =	sand.u32 $0x4000, s31;
	s1 =	sadd.s32 s1, s30  }
0x38: {  	s0 =	sor.u32 s3, s0;
	s1 =	sshll.u32 s1, $0x11  }
0x39: {  	s0 =	sor.u32 s1, s0  }
0x3a: {  	s0 =	sadd.s32 $0x8F2B, s0  }
0x3b: {  	[sflag:s0] =	ssyncadd.remote.s32 $0x1  }
0x3c: {  	_ =	sfence.sel $0xFFFF  }
0x3d: {  	[dreg:$0x0] =	wrdreg $0xFFFFFFFF;
	(pc) =	sbr.abs _section_cstart, $3  }
0x3e: {  	[dreg:$0x1] =	wrdreg $0xFFFFFFFF  }
0x3f: {  	_ =	task.clear_ibuf [dreg:s7], $0x2FFFF;
	_ =	strace $0x9FFFFFFF  }
0x40: {  	(tm) =	ssettm $0x7FFFFFFF  }
0x41: {  	_ =	shalt  }
tec
execute0_lowered:
.L_overlay_start_1:
0x0: {  	(tag) =	ssettag $0x1  }
0x1: {  	s0 =	stileid.u32;
	s1 =	srdreg.scid  }
0x2: {  	s2 =	sshll.u32 s0, $0x7;
	s3 =	sshll.u32 s0, $0x4;
	s4 =	sshll.u32 s1, $0x8  }
0x3: {  	s7 =	rddreg [dreg:$0x0];
	s1 =	sand.u32 $0x380, s2;
	s29 =	sor.u32 s3, s4  }
0x4: {  	s8 =	simm.s32 $0x2;
	s2 =	sand.u32 $0x180, s29;
	s30 =	ssub.s32 $0x400, s1  }
0x5: {  	s16 =	simm.s32 $0x0;
	s31 =	sand.u32 $0x380, s30;
	s5 =	ssub.s32 $0x300, s2  }
0x6: {  	s4 =	simm.s32 $0x1;
	p0 =	sne.s32 s31, $0x0;
	s6 =	sand.u32 $0x180, s5  }
0x7: {  	s4 =	simm.s32 @!p0 $0x0;
	p0 =	sne.s32 s6, $0x0;
	s6 =	simm.s32 $0x1  }
0x8: {  	s3 =	sshrl.u32 s30, $0xA;
	s5 =	sshrl.u32 s5, $0x9;
	s6 =	simm.s32 @!p0 $0x0  }
0x9: {  	s9 =	simm.s32 $0x1800;
	s3 =	sadd.s32 s4, s3;
	s5 =	sadd.s32 s6, s5  }
0xa: {  	s10 =	simm.s32 $0x0;
	s15 =	simm.s32 $0x0;
	s6 =	smul.u32 s5, s3  }
.Ltmp0:
0xb: {  	s17 =	simm.s32 $0x0;
	s4 =	rddreg [dreg:$0x1];
	(pc) =	sbr.rel .LBB1_1-.Ltmp0, $4  }
0xc: {  	s12 =	simm.s32 $0x0;
	s14 =	simm.s32 $0x0;
	s3 =	rddreg [dreg:$0x2]  }
0xd: {  	_ =	strace $0x80000047;
	s5 =	simm.s32 $0x1;
	s6 =	smul.u32 $0x2B, s6  }
0xe: {  	s7 =	sadd.s32 $0x560C00, s7;
	s13 =	smov.u32 s1;
	[sflag:s5] =	ssyncpa.u1 $0x0  }
0xf: {  	s11 =	smov.u32 s2;
	[sflag:s8] =	ssyncpa.u1 $0x0;
	s8 =	sadd.s32 $0x1, s6  }
.LBB1_4:
0x10: {  	_ =	sdelay $0x2  }
0x11: {  	s21 =	sshrl.u32 s17, $0x3  }
0x12: {  	[tilespmem:v0+s20+$0xFFFFFFD0 ss:$0x1] =	vst.idx.msk $0xffff, v7;
	s22 =	sshll.u32 s16, $0x3;
	s21 =	smul.u32 $0x1800, s21  }
0x13: {  	v56 =	vld.idx.msk [tilespmem:v1+s19+$0x0 ss:$0x1], $0xffff;
	[tilespmem:v0+s20+$0xFFFFFFE0 ss:$0x1] =	vst.idx.msk $0xffff, v5;
	s27 =	sshll.u32 s17, $0x7;
	s22 =	sand.u32 $0xFFFFFC00, s22  }
0x14: {  	v57 =	vld.idx.msk [tilespmem:v1+s19+$0xFFFFFF90 ss:$0x1], $0xffff;
	[tilespmem:v0+s20+$0xFFFFFFF0 ss:$0x1] =	vst.idx.msk $0xffff, v4;
	s17 =	sand.u32 $0x380, s27;
	s21 =	sadd.s32 s21, s22  }
0x15: {  	v58 =	vld.idx.msk [tilespmem:v1+s19+$0xFFFFFFA0 ss:$0x1], $0xffff;
	[tilespmem:v0+s20+$0x0 ss:$0x1] =	vst.idx.msk $0xffff, v2;
	s28 =	sand.u32 $0x7F, s16;
	s17 =	sor.u32 s17, s21  }
0x16: {  	v59 =	vld.idx.msk [tilespmem:v1+s19+$0xFFFFFFB0 ss:$0x1], $0xffff;
	[tilespmem:v0+s20+$0x10 ss:$0x1] =	vst.idx.msk $0xffff, v3;
	s16 =	sor.u32 s28, s17  }
0x17: {  	v60 =	vld.idx.msk [tilespmem:v1+s19+$0xFFFFFFC0 ss:$0x1], $0xffff;
	[tilespmem:v0+s20+$0x20 ss:$0x1] =	vst.idx.msk $0xffff, v6;
	s29 =	smulhi.u32 $0xAAAAAAAB, s16  }
0x18: {  	v61 =	vld.idx.msk [tilespmem:v1+s19+$0xFFFFFFD0 ss:$0x1], $0xffff;
	[tilespmem:v0+s19+$0x30 ss:$0x1] =	vst.idx.msk $0xffff, v56;
	s17 =	smulhi.u32 $0xAAAAAAAB, s17  }
0x19: {  	v62 =	vld.idx.msk [tilespmem:v1+s19+$0xFFFFFFE0 ss:$0x1], $0xffff;
	[tilespmem:v0+s19+$0xFFFFFFC0 ss:$0x1] =	vst.idx.msk $0xffff, v57;
	s20 =	sshrl.u32 s29, $0x9  }
0x1a: {  	v63 =	vld.idx.msk [tilespmem:v1+s19+$0xFFFFFFF0 ss:$0x1], $0xffff;
	[tilespmem:v0+s19+$0xFFFFFFD0 ss:$0x1] =	vst.idx.msk $0xffff, v58;
	s17 =	sshrl.u32 s17, $0x9;
	s20 =	smul.u32 $0x300, s20  }
0x1b: {  	s15 =	smul.u32 $0x18000, s15;
	[tilespmem:v0+s19+$0xFFFFFFE0 ss:$0x1] =	vst.idx.msk $0xffff, v59;
	s17 =	sand.u32 $0x3FF, s17  }
0x1c: {  	[tilespmem:v0+s19+$0xFFFFFFF0 ss:$0x1] =	vst.idx.msk $0xffff, v60;
	s17 =	smul.u32 $0x60, s17;
	s16 =	ssub.s32 s16, s20  }
0x1d: {  	s15 =	sadd.s32 s4, s15;
	[tilespmem:v0+s19+$0x0 ss:$0x1] =	vst.idx.msk $0xffff, v61;
	s20 =	sand.u32 $0x7, s16  }
0x1e: {  	[tilespmem:v0+s19+$0x10 ss:$0x1] =	vst.idx.msk $0xffff, v62;
	s15 =	sadd.s32 s17, s15;
	s16 =	sshrl.u32 s16, $0x3;
	s30 =	sshll.u32 s20, $0x12  }
0x1f: {  	[tilespmem:v0+s19+$0x20 ss:$0x1] =	vst.idx.msk $0xffff, v63;
	s15 =	sadd.s32 s16, s15;
	s31 =	sor.u32 $0x400, s30  }
0x20: {  	[hbm4b:s15+s31] =	stream.strided.scatter [tilespmem:s18], [sflag:$0x2], $0x4000, s9, s31, $0x38;
	[tilespmem:$0x10000] =	vst v63  }
.LBB1_5:
0x21: {  	s18 =	sadd.s32 $0x200, s11  }
0x22: {  	s15 =	simm.s32 $0x1;
	p1 =	sgt.s32 s18, $0x2FF  }
0x23: {  	s15 =	simm.s32 @!p1 $0x0  }
0x24: {  	s19 =	sadd.s32 s15, s12  }
0x25: {  	s21 =	smov.u32 s13;
	s15 =	sadd.s32 $0x400, s13;
	p2 =	sgt.s32 s19, $0x2A  }
0x26: {  	s21 =	smov.u32 @p2 s15  }
0x27: {  	s18 =	smov.u32 @p1 s2;
	p1 =	sgt.s32 s21, $0x3FF  }
0x28: {  	p0 =	slt.u32 s14, $0x2;
	s21 =	smov.u32 @p1 s1;
	p1 =	sne.s32 s14, s8  }
.Ltmp1:
0x29: {  	s20 =	simm.s32 @!p0 $0x2;
	(pc) =	sbr.rel @!p1 .LBB1_6-.Ltmp1, $4  }
0x2a: {  	s16 =	smov.u32 s11;
	s17 =	smov.u32 s13;
	_ =	swait.ge @!p0 [sflag:s20], $0x4000  }
0x2b: {  	s10 =	sadd.s32 $0x4000, s10;
	[sflag:s20] =	ssyncset.done @!p0 $0x0;
	s11 =	smov.u32 s18  }
0x2c: {  	[sflag:s20] =	ssyncadd.s32 @!p0 $0xFFFFC000;
	s19 =	simm.s32 @p2 $0x0;
	s15 =	smov.u32 s12  }
0x2d: {  	s12 =	smov.u32 s19;
	s14 =	sadd.s32 $0x1, s14;
	s13 =	smov.u32 s21  }
.LBB1_1:
0x2e: {  	p0 =	sge.u32 s14, s6  }
0x2f: {  	s18 =	sshrl.u32 @!p0 s12, $0x3  }
0x30: {  	s19 =	sshll.u32 @!p0 s11, $0x3;
	s18 =	smul.u32 @!p0 $0x1800, s18  }
0x31: {  	s20 =	sshll.u32 @!p0 s12, $0x7;
	s19 =	sand.u32 @!p0 $0xFFFFFC00, s19  }
0x32: {  	s18 =	sadd.s32 @!p0 s18, s19;
	s19 =	sand.u32 @!p0 $0x380, s20  }
0x33: {  	s18 =	sor.u32 @!p0 s19, s18  }
0x34: {  	s19 =	sand.u32 @!p0 $0x7F, s11;
	s20 =	smulhi.u32 @!p0 $0xAAAAAAAB, s18  }
0x35: {  	s18 =	sor.u32 @!p0 s19, s18  }
0x36: {  	s19 =	smulhi.u32 @!p0 $0xAAAAAAAB, s18;
	s20 =	sshrl.u32 @!p0 s20, $0x9  }
0x37: {  	s21 =	smulhi.u32 @!p0 $0x5555556, s20;
	_ =	sdelay $0x1  }
0x38: {  	s19 =	sshrl.u32 @!p0 s19, $0x9;
	s21 =	smul.u32 @!p0 $0x30, s21  }
0x39: {  	s31 =	sadd.s32 $0xFFFFFFFF, s14;
	s19 =	smul.u32 @!p0 $0x300, s19  }
0x3a: {  	s22 =	sxor.u32 @!p0 $0xFFFFFFFF, s14;
	s20 =	ssub.s32 @!p0 s20, s21;
	s21 =	smul.u32 @!p0 $0x1200, s13  }
0x3b: {  	s22 =	sshll.u32 @!p0 s22, $0xE;
	s18 =	ssub.s32 @!p0 s18, s19;
	s19 =	smul.u32 @!p0 $0x60, s20  }
0x3c: {  	s20 =	sand.u32 @!p0 $0x4000, s22;
	s22 =	sand.u32 @!p0 $0x7, s18;
	s21 =	sadd.s32 @!p0 s7, s21  }
0x3d: {  	s18 =	sshrl.u32 @!p0 s18, $0x3;
	s19 =	sadd.s32 @!p0 s19, s21;
	s21 =	sshll.u32 @!p0 s22, $0x12  }
0x3e: {  	s18 =	sadd.s32 @!p0 s18, s19;
	s19 =	sor.u32 @!p0 $0x80, s21;
	s21 =	simm.s32 @!p0 $0x9000  }
0x3f: {  	[tilespmem:s20], [sflag:$0x1] =	stream.strided.gather @!p0 [hbm4b:s18+s19], $0x4000, s21, s19, $0x38;
	[tilespmem:$0x10000] =	vst v63  }
0x40: {  	p0 =	sge.u32 s31, s6  }
.Ltmp2:
0x41: {  	_ = 	snop;
	(pc) =	sbr.rel @p0 .LBB1_5-.Ltmp2, $1  }
0x42: {  	_ =	sdelay $0x3  }
0x43: {  	s18 =	sand.u32 $0x4000, s10  }
0x44: {  	s19 =	sor.u32 $0x70, s18  }
0x45: {  	v1 =	vmov s19;
	_ =	sdelay $0x1  }
0x46: {  	_ =	swait.ge [sflag:s5], $0x4000  }
0x47: {  	[sflag:s5] =	ssyncset.done $0x0  }
0x48: {  	s20 =	simm.s32 $0x0;
	[sflag:s5] =	ssyncadd.s32 $0xFFFFC000  }
0x49: {  	s18 =	sor.u32 $0x8040, s18;
	v6 =	vld.idx.msk [tilespmem:v1+s20+$0x0 ss:$0x1], $0xffff  }
0x4a: {  	v0 =	vmov s18;
	v8 =	vld.idx.msk [tilespmem:v1+s20+$0xFFFFFF90 ss:$0x1], $0xffff  }
0x4b: {  	v7 =	vld.idx.msk [tilespmem:v1+s20+$0xFFFFFFA0 ss:$0x1], $0xffff  }
0x4c: {  	v5 =	vld.idx.msk [tilespmem:v1+s20+$0xFFFFFFB0 ss:$0x1], $0xffff  }
0x4d: {  	v4 =	vld.idx.msk [tilespmem:v1+s20+$0xFFFFFFC0 ss:$0x1], $0xffff  }
0x4e: {  	s31 =	sshll.u32 s14, $0xE;
	v2 =	vld.idx.msk [tilespmem:v1+s20+$0xFFFFFFD0 ss:$0x1], $0xffff  }
0x4f: {  	s18 =	sand.u32 $0x4000, s31;
	v3 =	vld.idx.msk [tilespmem:v1+s20+$0xFFFFFFE0 ss:$0x1], $0xffff;
	[tilespmem:v0+s20+$0x30 ss:$0x1] =	vst.idx.msk $0xffff, v6  }
0x50: {  	s21 =	simm.s32 $0x400;
	s19 =	simm.s32 $0x80;
	s18 =	sor.u32 $0x8000, s18;
	[tilespmem:v0+s20+$0xFFFFFFC0 ss:$0x1] =	vst.idx.msk $0xffff, v8;
	v6 =	vld.idx.msk [tilespmem:v1+s20+$0xFFFFFFF0 ss:$0x1], $0xffff  }
.LBB1_3:
0x51: {  	p0 =	sne.s32 s21, $0xFE00;
	v8 =	vld.idx.msk [tilespmem:v1+s19+$0x0 ss:$0x1], $0xffff;
	[tilespmem:v0+s20+$0xFFFFFFD0 ss:$0x1] =	vst.idx.msk $0xffff, v7  }
0x52: {  	v9 =	vld.idx.msk [tilespmem:v1+s19+$0xFFFFFF90 ss:$0x1], $0xffff;
	[tilespmem:v0+s20+$0xFFFFFFE0 ss:$0x1] =	vst.idx.msk $0xffff, v5  }
0x53: {  	v7 =	vld.idx.msk [tilespmem:v1+s19+$0xFFFFFFA0 ss:$0x1], $0xffff;
	[tilespmem:v0+s20+$0xFFFFFFF0 ss:$0x1] =	vst.idx.msk $0xffff, v4  }
.Ltmp3:
0x54: {  	v5 =	vld.idx.msk [tilespmem:v1+s19+$0xFFFFFFB0 ss:$0x1], $0xffff;
	[tilespmem:v0+s20+$0x0 ss:$0x1] =	vst.idx.msk $0xffff, v2;
	(pc) =	sbr.rel @p0 .LBB1_3-.Ltmp3, $4  }
0x55: {  	v4 =	vld.idx.msk [tilespmem:v1+s19+$0xFFFFFFC0 ss:$0x1], $0xffff;
	[tilespmem:v0+s20+$0x10 ss:$0x1] =	vst.idx.msk $0xffff, v3  }
0x56: {  	v2 =	vld.idx.msk [tilespmem:v1+s19+$0xFFFFFFD0 ss:$0x1], $0xffff;
	[tilespmem:v0+s20+$0x20 ss:$0x1] =	vst.idx.msk $0xffff, v6;
	s20 =	smov.u32 s19  }
0x57: {  	v3 =	vld.idx.msk [tilespmem:v1+s20+$0xFFFFFFE0 ss:$0x1], $0xffff;
	[tilespmem:v0+s20+$0x30 ss:$0x1] =	vst.idx.msk $0xffff, v8  }
0x58: {  	s19 =	sshra.s32 s21, $0x2;
	s21 =	sadd.s32 $0x200, s21;
	[tilespmem:v0+s20+$0xFFFFFFC0 ss:$0x1] =	vst.idx.msk $0xffff, v9;
	v6 =	vld.idx.msk [tilespmem:v1+s20+$0xFFFFFFF0 ss:$0x1], $0xffff  }
.Ltmp4:
0x59: {  	_ = 	snop;
	(pc) =	sbr.rel .LBB1_4-.Ltmp4, $1  }
0x5a: {  	_ =	sdelay $0x3  }
.LBB1_6:
0x5b: {  	_ =	sfence.sel $0x180000  }
0x5c: {  	s1 =	simm.s32 $0x1;
	[bflag:$0x0] =	sbarrier.arrive $0xFFFF  }
0x5d: {  	s31 =	simm.s32 $0x2;
	[sflag:s1] =	ssyncpa.u1 $0x1  }
0x5e: {  	[sflag:s31] =	ssyncpa.u1 $0x1  }
0x5f: {  	p0 =	sne.s32 s0, $0x0;
	_ =	strace $0x90000047  }
0x60: {  	s0 =	sadd.s32 @!p0 $0x100000, s3;
	[bflag:$0x2] =	sbarrier.arrive $0xFFFF  }
0x61: {  	[sflag:s0] =	ssyncadd.tile.s32 @!p0 $0x1;
	_ =	shalt  }
.Lfunc_end1:
_tile_overlayer_lowered:
.L_overlay_start_2:
0x62: {  	(tag) =	ssettag $0x2  }
0x63: {  	s0 =	rddreg [dreg:$0x0];
	s2 =	stileid.u32  }
0x64: {  	s1 =	rddreg [dreg:$0x1];
	p0 =	sne.s32 s2, $0x0  }
0x65: {  	s3 =	rddreg [dreg:$0x2];
	[bflag:$0x3] =	sbarrier.arrive $0xFFFF;
	s2 =	simm.s32 @!p0 $0x1C01  }
0x66: {  	[timem:s3], [sflag:s2] =	dma.local @!p0 [hbm:s0], s1  }
0x67: {  	s0 =	simm.s32 @!p0 $0x1  }
0x68: {  	_ =	swait.ge @!p0 [sflag:s0], s1  }
0x69: {  	s1 =	ssub.s32 @!p0 $0x0, s1;
	[sflag:s0] =	ssyncset.done @!p0 $0x0  }
0x6a: {  	[sflag:s0] =	ssyncadd.s32 @!p0 s1  }
0x6b: {  	[bflag:$0x3] =	sbarrier.arrive $0xFFFF  }
0x6c: {  	_ =	shalt  }

</sc_bundles>
